<compile_context>
chip_gen: v7x
topology: tpu7x:2x2x1
jax: 0.10.2.dev20260603
libtpu: 0.0.44.dev20260713+nightly
codegen_flags: <defaults>
</compile_context>

<pallas_src>
import jax
import jax.numpy as jnp
from jax import lax
from jax.experimental import pallas as pl
from jax.experimental.pallas import tpu as pltpu
from jax.experimental.pallas import tpu_sc as plsc

_B, _N, _M, _C = 16, 16384, 128, 80
_NC, _NS = 2, 16
_HALF = _N // 2
_K = 16
_S = _HALF // _K
_LW = 160
_LN2 = 0.6931471805599453


def _log_vec(x):
    bits = lax.bitcast_convert_type(x, jnp.int32)
    e = (bits >> 23) - 127
    mant = lax.bitcast_convert_type((bits & 0x7FFFFF) | 0x3F800000,
                                    jnp.float32)
    t = (mant - 1.0) / (mant + 1.0)
    t2 = t * t
    p = 2.0 / 9.0
    p = p * t2 + 2.0 / 7.0
    p = p * t2 + 2.0 / 5.0
    p = p * t2 + 2.0 / 3.0
    p = p * t2 + 2.0
    return e.astype(jnp.float32) * _LN2 + t * p


def _body(boxes_hbm, x1y1_hbm, x2y2_hbm, cls_hbm, flag_hbm, ids_hbm,
          mask_hbm, tconf_hbm, tcls_hbm, tbox_hbm,
          ids_v, clsi_v, lwhi_v, gtp_v, gtq_v, lists_v, cnts_v, wtab_v,
          flag_v, boxes_v, mask_v, tconf_v, tcls_v, tbox_v,
          sem_in, sem_out):
    w = lax.axis_index("s") * _NC + lax.axis_index("c")
    b = w // 2
    h = w % 2
    half0 = h * _HALF

    pltpu.sync_copy(ids_hbm.at[b], ids_v.at[pl.ds(0, _M)])
    pltpu.sync_copy(cls_hbm.at[b], clsi_v.at[pl.ds(0, _M)])
    pltpu.sync_copy(x1y1_hbm.at[b], gtp_v)
    pltpu.sync_copy(x2y2_hbm.at[b], gtq_v)

    lane = lax.iota(jnp.int32, 16)
    zvec = jnp.zeros((16,), jnp.float32)
    zivec = jnp.zeros((16,), jnp.int32)
    e0vec = jnp.where(lane == 0, 1.0, 0.0)
    lane0 = lane == 0
    lane01 = lane < 2

    def prec(g, _):
        sl = pl.ds(g * 16, 16)
        lwhi_v[sl] = _log_vec(gtq_v[sl] - gtp_v[sl])
        return 0
    lax.fori_loop(0, 2 * _M // 16, prec, 0)

    cnts_v[pl.ds(0, 16)] = zivec
    cnts_v[pl.ds(16, 16)] = zivec

    def bldall(m, _):
        idm = ids_v[pl.ds(m, 16)][0]
        rr = idm - half0
        inw = (rr >= 0) & (rr < _HALF)

        @pl.when(inw)
        def _():
            kk = rr >> 9
            cv = cnts_v[pl.ds(kk, 16)][0]
            lv = lists_v[pl.ds(kk * _LW + cv, 16)]
            lists_v[pl.ds(kk * _LW + cv, 16)] = jnp.where(lane0, m, lv)
            cw = cnts_v[pl.ds(kk, 16)]
            cnts_v[pl.ds(kk, 16)] = jnp.where(lane0, cv + 1, cw)
            wv = wtab_v[pl.ds(rr, 16)]
            wtab_v[pl.ds(rr, 16)] = jnp.where(lane0, m, wv)
        return 0
    lax.fori_loop(0, _M, bldall, 0)

    dz = cnts_v[pl.ds(_K, 16)][0] * 0 + cnts_v[pl.ds(_K + 1, 16)][0] * 0

    def initr(r, _):
        tcls_v[r, pl.ds(0, 16)] = e0vec
        tcls_v[r, pl.ds(16, 16)] = zvec
        tcls_v[r, pl.ds(32, 16)] = zvec
        tcls_v[r, pl.ds(48, 16)] = zvec
        tcls_v[r, pl.ds(64, 16)] = zvec
        return 0
    lax.fori_loop(0, _S, initr, 0)

    def initc(g, _):
        tconf_v[pl.ds(g * 16, 16)] = zvec
        return 0
    lax.fori_loop(0, _S // 16, initc, 0)

    def initz(g, _):
        tbox_v[pl.ds(g * 16, 16)] = zvec
        return 0
    lax.fori_loop(0, 4 * _S // 16, initz, 0)

    def chunk(k, _):
        nlo = half0 + k * _S

        din1 = pltpu.async_copy(flag_hbm.at[b, pl.ds(nlo, _S)],
                                flag_v, sem_in)
        din2 = pltpu.async_copy(boxes_hbm.at[b, pl.ds(4 * nlo, 4 * _S)],
                                boxes_v.at[pl.ds(0, 4 * _S)], sem_in)
        cnt = cnts_v[pl.ds(k, 16)][0]

        din1.wait()
        din2.wait()

        def mk_(g, _):
            sl = pl.ds(g * 16, 16)
            mask_v[sl] = jnp.where(flag_v[sl] > 0, -1.0, 0.0)
            return 0
        lax.fori_loop(0, _S // 16, mk_, 0)

        def scat(i, _):
            mm = lists_v[pl.ds(k * _LW + i, 16)][0]
            idm = ids_v[pl.ds(mm, 16)][0]
            r = idm - nlo
            wt = wtab_v[pl.ds(idm - half0, 16)][0]

            @pl.when(wt == mm)
            def _():
                wv = mask_v[pl.ds(r, 16)]
                mask_v[pl.ds(r, 16)] = jnp.where(lane0, 1.0, wv)
                wv = tconf_v[pl.ds(r, 16)]
                tconf_v[pl.ds(r, 16)] = jnp.where(lane0, 1.0, wv)

                cc = clsi_v[pl.ds(mm, 16)][0]
                wv = tcls_v[r, pl.ds(dz, 16)]
                tcls_v[r, pl.ds(dz, 16)] = jnp.where(lane0, 0.0, wv)
                wv = tcls_v[r, pl.ds(cc, 16)]
                tcls_v[r, pl.ds(cc, 16)] = jnp.where(lane0, 1.0, wv)

                bw = boxes_v[pl.ds(4 * r, 16)]
                tb = lwhi_v[pl.ds(2 * mm, 16)] - _log_vec(bw)
                wv = tbox_v[pl.ds(4 * r + 2, 16)]
                tbox_v[pl.ds(4 * r + 2, 16)] = jnp.where(lane01, tb, wv)
            return 0
        lax.fori_loop(0, cnt, scat, 0)

        d1 = pltpu.async_copy(mask_v.at[pl.ds(0, _S)],
                              mask_hbm.at[b, pl.ds(nlo, _S)], sem_out)
        d2 = pltpu.async_copy(tconf_v.at[pl.ds(0, _S)],
                              tconf_hbm.at[b, pl.ds(nlo, _S)], sem_out)
        d3 = pltpu.async_copy(tcls_v.at[pl.ds(0, _S)],
                              tcls_hbm.at[b, pl.ds(nlo, _S)], sem_out)
        d4 = pltpu.async_copy(tbox_v.at[pl.ds(0, 4 * _S)],
                              tbox_hbm.at[b, pl.ds(4 * nlo, 4 * _S)],
                              sem_out)
        d1.wait()
        d2.wait()
        d3.wait()
        d4.wait()

        def rest(i, _):
            mm = lists_v[pl.ds(k * _LW + i, 16)][0]
            r = ids_v[pl.ds(mm, 16)][0] - nlo
            cc = clsi_v[pl.ds(mm, 16)][0]
            wv = tcls_v[r, pl.ds(cc, 16)]
            tcls_v[r, pl.ds(cc, 16)] = jnp.where(lane0, 0.0, wv)
            wv = tcls_v[r, pl.ds(dz, 16)]
            tcls_v[r, pl.ds(dz, 16)] = jnp.where(lane0, 1.0, wv)
            wv = tbox_v[pl.ds(4 * r + 2, 16)]
            tbox_v[pl.ds(4 * r + 2, 16)] = jnp.where(lane01, 0.0, wv)
            wv = tconf_v[pl.ds(r, 16)]
            tconf_v[pl.ds(r, 16)] = jnp.where(lane0, 0.0, wv)
            return 0
        lax.fori_loop(0, cnt, rest, 0)
        return 0

    lax.fori_loop(0, _K, chunk, 0)


def kernel(boxes, gt_boxes, match_pos_flag, match_gt_id):
    B, N, _ = boxes.shape
    _, M, _ = gt_boxes.shape
    C = _C

    x1y1 = gt_boxes[..., 0:2].reshape(B, 2 * M)
    x2y2 = gt_boxes[..., 2:4].reshape(B, 2 * M)
    clsi = gt_boxes[..., 4].astype(jnp.int32)

    sc_call = pl.kernel(
        _body,
        out_type=(
            jax.ShapeDtypeStruct((B, N), jnp.float32),
            jax.ShapeDtypeStruct((B, N), jnp.float32),
            jax.ShapeDtypeStruct((B, N, C), jnp.float32),
            jax.ShapeDtypeStruct((B, N * 4), jnp.float32),
        ),
        mesh=plsc.VectorSubcoreMesh(core_axis_name="c", subcore_axis_name="s"),
        compiler_params=pltpu.CompilerParams(use_tc_tiling_on_sc=True),
        scratch_types=[
            pltpu.VMEM((_M + 16,), jnp.int32),
            pltpu.VMEM((_M + 16,), jnp.int32),
            pltpu.VMEM((2 * _M + 16,), jnp.float32),
            pltpu.VMEM((2 * _M,), jnp.float32),
            pltpu.VMEM((2 * _M,), jnp.float32),
            pltpu.VMEM((_K * _LW + 16,), jnp.int32),
            pltpu.VMEM((_K + 32,), jnp.int32),
            pltpu.VMEM((_HALF + 16,), jnp.int32),
            pltpu.VMEM((_S,), jnp.int32),
            pltpu.VMEM((4 * _S + 16,), jnp.float32),
            pltpu.VMEM((_S + 16,), jnp.float32),
            pltpu.VMEM((_S + 16,), jnp.float32),
            pltpu.VMEM((_S, _C), jnp.float32),
            pltpu.VMEM((4 * _S + 16,), jnp.float32),
            pltpu.SemaphoreType.DMA,
            pltpu.SemaphoreType.DMA,
        ],
    )
    mask, tconf, tcls, tbox2 = sc_call(boxes.reshape(B, N * 4), x1y1,
                                       x2y2, clsi, match_pos_flag,
                                       match_gt_id)
    return (mask, tconf, tcls, tbox2.reshape(B, N, 4))

# --- scband reference (transcript-rebuilt; emitter-appended) ---
"""Pipeline reference for scband-yolov3-label-encoder-15719580304251 (READ-ONLY COPY).

The authoritative reference and input builder live on the scoring server;
editing this copy changes nothing except your own understanding.
"""

import jax, jax.numpy as jnp
import numpy as np

B, N, M, NUM_CLASSES = 16, 16384, 128, 80


def setup_inputs(seed: int = 0) -> dict:
    key = jax.random.key(seed)
    ks = jax.random.split(key, 6)
    # predicted boxes: strictly positive so take_row(boxes)[..., 0:2] is a safe divisor
    boxes = jax.random.uniform(ks[0], (B, N, 4), minval=0.05, maxval=1.0, dtype=jnp.float32)
    # gt boxes in corner format with x2>x1, y2>y1 so w,h > 0 (valid for log)
    xy1 = jax.random.uniform(ks[1], (B, M, 2), dtype=jnp.float32) * 0.5
    wh = jax.random.uniform(ks[2], (B, M, 2), dtype=jnp.float32) * 0.4 + 0.05
    cls = jax.random.randint(ks[3], (B, M), 0, NUM_CLASSES).astype(jnp.float32)[..., None]
    extra = jnp.ones((B, M, 1), jnp.float32)
    gt_boxes = jnp.concatenate([xy1, xy1 + wh, cls, extra], axis=-1)
    match_pos_flag = jax.random.randint(ks[4], (B, N), 0, 2, dtype=jnp.int32)
    match_gt_id = jax.random.randint(ks[5], (B, M), 0, N, dtype=jnp.int32)
    return {"boxes": boxes, "gt_boxes": gt_boxes, "match_pos_flag": match_pos_flag, "match_gt_id": match_gt_id}


def _box_corner_to_center(b):
    cxcy = (b[..., 0:2] + b[..., 2:4]) * 0.5
    wh = b[..., 2:4] - b[..., 0:2]
    return jnp.concatenate([cxcy, wh], axis=-1)


def reference(boxes, gt_boxes, match_pos_flag, match_gt_id):
    Bn, Nn = match_pos_flag.shape
    batch_idx = jnp.arange(Bn)[:, None]  # (B, 1) broadcasts against (B, M) indices

    gt_bboxes = _box_corner_to_center(gt_boxes[..., :4])  # (B, M, 4) center format

    # mask init: -1 where match_pos_flag > 0, else 0
    mask = jnp.where(match_pos_flag > 0, -1.0, 0.0).astype(jnp.float32)
    # insert_row: scatter-overwrite rows of (B, N) targets at match_gt_id positions
    mask = mask.at[batch_idx, match_gt_id].set(1.0)

    tconf = jnp.zeros((Bn, Nn), jnp.float32).at[batch_idx, match_gt_id].set(1.0)
    tcls = jnp.zeros((Bn, Nn), jnp.float32).at[batch_idx, match_gt_id].set(gt_boxes[..., 4].astype(jnp.float32))

    target_xy = gt_bboxes[..., 0:2] - gt_bboxes[..., 0:2]  # zeros, faithful to source
    # take_row: batched gather of predicted boxes at matched positions -> (B, M, 4)
    pred_rows = boxes[batch_idx, match_gt_id]
    target_wh = jnp.log(gt_bboxes[..., 2:4] / pred_rows[..., 0:2] + 1e-16)
    tgt = jnp.concatenate([target_xy, target_wh], axis=-1).astype(jnp.float32)  # (B, M, 4)

    tboxes = jnp.zeros((Bn, Nn, 4), jnp.float32).at[batch_idx, match_gt_id].set(tgt)

    # class_encoder: one-hot over NUM_CLASSES classes
    tcls_out = jax.nn.one_hot(tcls.astype(jnp.int32), NUM_CLASSES, dtype=jnp.float32)

    return (mask, tconf, tcls_out, tboxes)

if __name__ == "__main__":
    import jax
    _d = setup_inputs()
    print(jax.jit(kernel)(*tuple(_d.values())))

</pallas_src>

<mosaic_0001>
#map = affine_map<(d0, d1) -> (0, 0)>
#map1 = affine_map<(d0, d1) -> (0, 0, 0)>
module attributes {stable_mosaic.version = 14 : i64} {
  func.func @_body(%arg0: i32, %arg1: i32, %arg2: memref<16x65536xf32, #tpu.memory_space<hbm>>, %arg3: memref<16x256xf32, #tpu.memory_space<hbm>>, %arg4: memref<16x256xf32, #tpu.memory_space<hbm>>, %arg5: memref<16x128xi32, #tpu.memory_space<hbm>>, %arg6: memref<16x16384xi32, #tpu.memory_space<hbm>>, %arg7: memref<16x128xi32, #tpu.memory_space<hbm>>, %arg8: memref<16x16384xf32, #tpu.memory_space<hbm>>, %arg9: memref<16x16384xf32, #tpu.memory_space<hbm>>, %arg10: memref<16x16384x80xf32, #tpu.memory_space<hbm>>, %arg11: memref<16x65536xf32, #tpu.memory_space<hbm>>, %arg12: memref<144xi32, #tpu.memory_space<vmem>>, %arg13: memref<144xi32, #tpu.memory_space<vmem>>, %arg14: memref<272xf32, #tpu.memory_space<vmem>>, %arg15: memref<256xf32, #tpu.memory_space<vmem>>, %arg16: memref<256xf32, #tpu.memory_space<vmem>>, %arg17: memref<2576xi32, #tpu.memory_space<vmem>>, %arg18: memref<48xi32, #tpu.memory_space<vmem>>, %arg19: memref<8208xi32, #tpu.memory_space<vmem>>, %arg20: memref<512xi32, #tpu.memory_space<vmem>>, %arg21: memref<2064xf32, #tpu.memory_space<vmem>>, %arg22: memref<528xf32, #tpu.memory_space<vmem>>, %arg23: memref<528xf32, #tpu.memory_space<vmem>>, %arg24: memref<512x80xf32, #tpu.memory_space<vmem>>, %arg25: memref<2064xf32, #tpu.memory_space<vmem>>, %arg26: memref<!tpu.dma_semaphore, #tpu.memory_space<semaphore_mem>>, %arg27: memref<!tpu.dma_semaphore, #tpu.memory_space<semaphore_mem>>) attributes {dimension_semantics = [#tpu.dimension_semantics<core_parallel>, #tpu.dimension_semantics<subcore_parallel>], iteration_bounds = array<i64: 2, 16>, scalar_prefetch = 0 : i64, scratch_operands = 16 : i64, tpu.core_type = #tpu.core_type<sc_vector_subcore>, window_params = [{transform_indices = #map}, {transform_indices = #map}, {transform_indices = #map}, {transform_indices = #map}, {transform_indices = #map}, {transform_indices = #map}, {transform_indices = #map}, {transform_indices = #map}, {transform_indices = #map1}, {transform_indices = #map}]} {
    %mul3A = arith.constant 2 : i32
    %mul3A_0 = arith.muli %arg1, %mul3A : i32
    %add3A = arith.addi %mul3A_0, %arg0 : i32
    %jit3A = arith.constant 2 : i32
    %div3A = arith.divsi %add3A, %jit3A : i32
    %sign3A = arith.constant 0 : i32
    %sign3A_1 = arith.cmpi sgt, %add3A, %sign3A : i32
    %sign3A_2 = arith.extui %sign3A_1 : i1 to i32
    %sign3A_3 = arith.constant 0 : i32
    %sign3A_4 = arith.cmpi slt, %add3A, %sign3A_3 : i32
    %sign3A_5 = arith.extui %sign3A_4 : i1 to i32
    %sign3A_6 = arith.subi %sign3A_2, %sign3A_5 : i32
    %sign3A_7 = arith.constant 0 : i32
    %sign3A_8 = arith.cmpi sgt, %jit3A, %sign3A_7 : i32
    %sign3A_9 = arith.extui %sign3A_8 : i1 to i32
    %sign3A_10 = arith.constant 0 : i32
    %sign3A_11 = arith.cmpi slt, %jit3A, %sign3A_10 : i32
    %sign3A_12 = arith.extui %sign3A_11 : i1 to i32
    %sign3A_13 = arith.subi %sign3A_9, %sign3A_12 : i32
    %ne3A = arith.cmpi ne, %sign3A_6, %sign3A_13 : i32
    %rem3A = arith.remsi %add3A, %jit3A : i32
    %ne3A_14 = arith.constant 0 : i32
    %ne3A_15 = arith.cmpi ne, %rem3A, %ne3A_14 : i32
    %and3A = arith.andi %ne3A, %ne3A_15 : i1
    %sub3A = arith.constant 1 : i32
    %sub3A_16 = arith.subi %div3A, %sub3A : i32
    %select_n3A = arith.select %and3A, %sub3A_16, %div3A : i32
    %jit3A_17 = arith.constant 2 : i32
    %eq3A = arith.constant 0 : i32
    %eq3A_18 = arith.cmpi eq, %jit3A_17, %eq3A : i32
    %jit3A_19 = arith.constant 1 : i32
    %select_n3A_20 = arith.select %eq3A_18, %jit3A_19, %jit3A_17 : i32
    %rem3A_21 = arith.remsi %add3A, %select_n3A_20 : i32
    %ne3A_22 = arith.constant 0 : i32
    %ne3A_23 = arith.cmpi ne, %rem3A_21, %ne3A_22 : i32
    %lt3A = arith.constant 0 : i32
    %lt3A_24 = arith.cmpi slt, %rem3A_21, %lt3A : i32
    %lt3A_25 = arith.constant 0 : i32
    %lt3A_26 = arith.cmpi slt, %select_n3A_20, %lt3A_25 : i32
    %ne3A_27 = arith.xori %lt3A_24, %lt3A_26 : i1
    %and3A_28 = arith.andi %ne3A_27, %ne3A_23 : i1
    %add3A_29 = arith.addi %rem3A_21, %select_n3A_20 : i32
    %select_n3A_30 = arith.select %and3A_28, %add3A_29, %rem3A_21 : i32
    %mul3A_31 = arith.constant 8192 : i32
    %mul3A_32 = arith.muli %select_n3A_30, %mul3A_31 : i32
    "tpu.region"() ({
      %run_scoped3A = tpu.sem_alloc : memref<!tpu.dma_semaphore, #tpu.memory_space<semaphore_mem>>
      %dma_start3A = arith.constant 0 : i32
      %dma_start3A_110 = tpu.memref_slice %arg12[%dma_start3A] : memref<144xi32, #tpu.memory_space<vmem>> -> memref<128xi32, #tpu.memory_space<vmem>>
      %dma_start3A_111 = arith.constant 0 : i32
      %dma_start3A_112 = tpu.memref_slice %arg7[%select_n3A, %dma_start3A_111] : memref<16x128xi32, #tpu.memory_space<hbm>> -> memref<1x128xi32, #tpu.memory_space<hbm>>
      %dma_start3A_113 = tpu.memref_squeeze %dma_start3A_112 : memref<1x128xi32, #tpu.memory_space<hbm>> -> memref<128xi32, #tpu.memory_space<hbm>>
      %dma_start3A_114 = arith.constant 0 : i32
      %dma_start3A_115 = tpu.memref_slice %arg12[%dma_start3A_114] : memref<144xi32, #tpu.memory_space<vmem>> -> memref<128xi32, #tpu.memory_space<vmem>>
      %dma_start3A_116 = arith.constant 0 : i32
      %dma_start3A_117 = tpu.memref_slice %arg7[%select_n3A, %dma_start3A_116] : memref<16x128xi32, #tpu.memory_space<hbm>> -> memref<1x128xi32, #tpu.memory_space<hbm>>
      %dma_start3A_118 = tpu.memref_squeeze %dma_start3A_117 : memref<1x128xi32, #tpu.memory_space<hbm>> -> memref<128xi32, #tpu.memory_space<hbm>>
      tpu.enqueue_dma source(%dma_start3A_118 : memref<128xi32, #tpu.memory_space<hbm>>) target(%dma_start3A_115 : memref<128xi32, #tpu.memory_space<vmem>>) target_semaphore(%run_scoped3A : memref<!tpu.dma_semaphore, #tpu.memory_space<semaphore_mem>>)
      %dma_wait3A = arith.constant 0 : i32
      %dma_wait3A_119 = tpu.memref_slice %arg12[%dma_wait3A] : memref<144xi32, #tpu.memory_space<vmem>> -> memref<128xi32, #tpu.memory_space<vmem>>
      %dma_wait3A_120 = arith.constant 0 : i32
      %dma_wait3A_121 = tpu.memref_slice %arg7[%select_n3A, %dma_wait3A_120] : memref<16x128xi32, #tpu.memory_space<hbm>> -> memref<1x128xi32, #tpu.memory_space<hbm>>
      %dma_wait3A_122 = tpu.memref_squeeze %dma_wait3A_121 : memref<1x128xi32, #tpu.memory_space<hbm>> -> memref<128xi32, #tpu.memory_space<hbm>>
      %dma_wait3A_123 = arith.constant 0 : i32
      %dma_wait3A_124 = tpu.memref_slice %arg12[%dma_wait3A_123] : memref<144xi32, #tpu.memory_space<vmem>> -> memref<128xi32, #tpu.memory_space<vmem>>
      %dma_wait3A_125 = arith.constant 0 : i32
      %dma_wait3A_126 = tpu.memref_slice %arg7[%select_n3A, %dma_wait3A_125] : memref<16x128xi32, #tpu.memory_space<hbm>> -> memref<1x128xi32, #tpu.memory_space<hbm>>
      %dma_wait3A_127 = tpu.memref_squeeze %dma_wait3A_126 : memref<1x128xi32, #tpu.memory_space<hbm>> -> memref<128xi32, #tpu.memory_space<hbm>>
      tpu.wait_dma2 semaphore(%run_scoped3A : memref<!tpu.dma_semaphore, #tpu.memory_space<semaphore_mem>>) src(%dma_wait3A_127 : memref<128xi32, #tpu.memory_space<hbm>>) dst(%dma_wait3A_124 : memref<128xi32, #tpu.memory_space<vmem>>)
      tpu.yield
    }) : () -> ()
    "tpu.region"() ({
      %run_scoped3A = tpu.sem_alloc : memref<!tpu.dma_semaphore, #tpu.memory_space<semaphore_mem>>
      %dma_start3A = arith.constant 0 : i32
      %dma_start3A_110 = tpu.memref_slice %arg13[%dma_start3A] : memref<144xi32, #tpu.memory_space<vmem>> -> memref<128xi32, #tpu.memory_space<vmem>>
      %dma_start3A_111 = arith.constant 0 : i32
      %dma_start3A_112 = tpu.memref_slice %arg5[%select_n3A, %dma_start3A_111] : memref<16x128xi32, #tpu.memory_space<hbm>> -> memref<1x128xi32, #tpu.memory_space<hbm>>
      %dma_start3A_113 = tpu.memref_squeeze %dma_start3A_112 : memref<1x128xi32, #tpu.memory_space<hbm>> -> memref<128xi32, #tpu.memory_space<hbm>>
      %dma_start3A_114 = arith.constant 0 : i32
      %dma_start3A_115 = tpu.memref_slice %arg13[%dma_start3A_114] : memref<144xi32, #tpu.memory_space<vmem>> -> memref<128xi32, #tpu.memory_space<vmem>>
      %dma_start3A_116 = arith.constant 0 : i32
      %dma_start3A_117 = tpu.memref_slice %arg5[%select_n3A, %dma_start3A_116] : memref<16x128xi32, #tpu.memory_space<hbm>> -> memref<1x128xi32, #tpu.memory_space<hbm>>
      %dma_start3A_118 = tpu.memref_squeeze %dma_start3A_117 : memref<1x128xi32, #tpu.memory_space<hbm>> -> memref<128xi32, #tpu.memory_space<hbm>>
      tpu.enqueue_dma source(%dma_start3A_118 : memref<128xi32, #tpu.memory_space<hbm>>) target(%dma_start3A_115 : memref<128xi32, #tpu.memory_space<vmem>>) target_semaphore(%run_scoped3A : memref<!tpu.dma_semaphore, #tpu.memory_space<semaphore_mem>>)
      %dma_wait3A = arith.constant 0 : i32
      %dma_wait3A_119 = tpu.memref_slice %arg13[%dma_wait3A] : memref<144xi32, #tpu.memory_space<vmem>> -> memref<128xi32, #tpu.memory_space<vmem>>
      %dma_wait3A_120 = arith.constant 0 : i32
      %dma_wait3A_121 = tpu.memref_slice %arg5[%select_n3A, %dma_wait3A_120] : memref<16x128xi32, #tpu.memory_space<hbm>> -> memref<1x128xi32, #tpu.memory_space<hbm>>
      %dma_wait3A_122 = tpu.memref_squeeze %dma_wait3A_121 : memref<1x128xi32, #tpu.memory_space<hbm>> -> memref<128xi32, #tpu.memory_space<hbm>>
      %dma_wait3A_123 = arith.constant 0 : i32
      %dma_wait3A_124 = tpu.memref_slice %arg13[%dma_wait3A_123] : memref<144xi32, #tpu.memory_space<vmem>> -> memref<128xi32, #tpu.memory_space<vmem>>
      %dma_wait3A_125 = arith.constant 0 : i32
      %dma_wait3A_126 = tpu.memref_slice %arg5[%select_n3A, %dma_wait3A_125] : memref<16x128xi32, #tpu.memory_space<hbm>> -> memref<1x128xi32, #tpu.memory_space<hbm>>
      %dma_wait3A_127 = tpu.memref_squeeze %dma_wait3A_126 : memref<1x128xi32, #tpu.memory_space<hbm>> -> memref<128xi32, #tpu.memory_space<hbm>>
      tpu.wait_dma2 semaphore(%run_scoped3A : memref<!tpu.dma_semaphore, #tpu.memory_space<semaphore_mem>>) src(%dma_wait3A_127 : memref<128xi32, #tpu.memory_space<hbm>>) dst(%dma_wait3A_124 : memref<128xi32, #tpu.memory_space<vmem>>)
      tpu.yield
    }) : () -> ()
    "tpu.region"() ({
      %run_scoped3A = tpu.sem_alloc : memref<!tpu.dma_semaphore, #tpu.memory_space<semaphore_mem>>
      %dma_start3A = arith.constant 0 : i32
      %dma_start3A_110 = tpu.memref_slice %arg3[%select_n3A, %dma_start3A] : memref<16x256xf32, #tpu.memory_space<hbm>> -> memref<1x256xf32, #tpu.memory_space<hbm>>
      %dma_start3A_111 = tpu.memref_squeeze %dma_start3A_110 : memref<1x256xf32, #tpu.memory_space<hbm>> -> memref<256xf32, #tpu.memory_space<hbm>>
      %dma_start3A_112 = arith.constant 0 : i32
      %dma_start3A_113 = tpu.memref_slice %arg3[%select_n3A, %dma_start3A_112] : memref<16x256xf32, #tpu.memory_space<hbm>> -> memref<1x256xf32, #tpu.memory_space<hbm>>
      %dma_start3A_114 = tpu.memref_squeeze %dma_start3A_113 : memref<1x256xf32, #tpu.memory_space<hbm>> -> memref<256xf32, #tpu.memory_space<hbm>>
      tpu.enqueue_dma source(%dma_start3A_114 : memref<256xf32, #tpu.memory_space<hbm>>) target(%arg15 : memref<256xf32, #tpu.memory_space<vmem>>) target_semaphore(%run_scoped3A : memref<!tpu.dma_semaphore, #tpu.memory_space<semaphore_mem>>)
      %dma_wait3A = arith.constant 0 : i32
      %dma_wait3A_115 = tpu.memref_slice %arg3[%select_n3A, %dma_wait3A] : memref<16x256xf32, #tpu.memory_space<hbm>> -> memref<1x256xf32, #tpu.memory_space<hbm>>
      %dma_wait3A_116 = tpu.memref_squeeze %dma_wait3A_115 : memref<1x256xf32, #tpu.memory_space<hbm>> -> memref<256xf32, #tpu.memory_space<hbm>>
      %dma_wait3A_117 = arith.constant 0 : i32
      %dma_wait3A_118 = tpu.memref_slice %arg3[%select_n3A, %dma_wait3A_117] : memref<16x256xf32, #tpu.memory_space<hbm>> -> memref<1x256xf32, #tpu.memory_space<hbm>>
      %dma_wait3A_119 = tpu.memref_squeeze %dma_wait3A_118 : memref<1x256xf32, #tpu.memory_space<hbm>> -> memref<256xf32, #tpu.memory_space<hbm>>
      tpu.wait_dma2 semaphore(%run_scoped3A : memref<!tpu.dma_semaphore, #tpu.memory_space<semaphore_mem>>) src(%dma_wait3A_119 : memref<256xf32, #tpu.memory_space<hbm>>) dst(%arg15 : memref<256xf32, #tpu.memory_space<vmem>>)
      tpu.yield
    }) : () -> ()
    "tpu.region"() ({
      %run_scoped3A = tpu.sem_alloc : memref<!tpu.dma_semaphore, #tpu.memory_space<semaphore_mem>>
      %dma_start3A = arith.constant 0 : i32
      %dma_start3A_110 = tpu.memref_slice %arg4[%select_n3A, %dma_start3A] : memref<16x256xf32, #tpu.memory_space<hbm>> -> memref<1x256xf32, #tpu.memory_space<hbm>>
      %dma_start3A_111 = tpu.memref_squeeze %dma_start3A_110 : memref<1x256xf32, #tpu.memory_space<hbm>> -> memref<256xf32, #tpu.memory_space<hbm>>
      %dma_start3A_112 = arith.constant 0 : i32
      %dma_start3A_113 = tpu.memref_slice %arg4[%select_n3A, %dma_start3A_112] : memref<16x256xf32, #tpu.memory_space<hbm>> -> memref<1x256xf32, #tpu.memory_space<hbm>>
      %dma_start3A_114 = tpu.memref_squeeze %dma_start3A_113 : memref<1x256xf32, #tpu.memory_space<hbm>> -> memref<256xf32, #tpu.memory_space<hbm>>
      tpu.enqueue_dma source(%dma_start3A_114 : memref<256xf32, #tpu.memory_space<hbm>>) target(%arg16 : memref<256xf32, #tpu.memory_space<vmem>>) target_semaphore(%run_scoped3A : memref<!tpu.dma_semaphore, #tpu.memory_space<semaphore_mem>>)
      %dma_wait3A = arith.constant 0 : i32
      %dma_wait3A_115 = tpu.memref_slice %arg4[%select_n3A, %dma_wait3A] : memref<16x256xf32, #tpu.memory_space<hbm>> -> memref<1x256xf32, #tpu.memory_space<hbm>>
      %dma_wait3A_116 = tpu.memref_squeeze %dma_wait3A_115 : memref<1x256xf32, #tpu.memory_space<hbm>> -> memref<256xf32, #tpu.memory_space<hbm>>
      %dma_wait3A_117 = arith.constant 0 : i32
      %dma_wait3A_118 = tpu.memref_slice %arg4[%select_n3A, %dma_wait3A_117] : memref<16x256xf32, #tpu.memory_space<hbm>> -> memref<1x256xf32, #tpu.memory_space<hbm>>
      %dma_wait3A_119 = tpu.memref_squeeze %dma_wait3A_118 : memref<1x256xf32, #tpu.memory_space<hbm>> -> memref<256xf32, #tpu.memory_space<hbm>>
      tpu.wait_dma2 semaphore(%run_scoped3A : memref<!tpu.dma_semaphore, #tpu.memory_space<semaphore_mem>>) src(%dma_wait3A_119 : memref<256xf32, #tpu.memory_space<hbm>>) dst(%arg16 : memref<256xf32, #tpu.memory_space<vmem>>)
      tpu.yield
    }) : () -> ()
    %iota3A = tpu.iota {dimensions = array<i32: 0>} : vector<16xi32>
    %broadcast_in_dim3A = arith.constant 0.000000e+00 : f32
    %broadcast_in_dim3A_33 = vector.broadcast %broadcast_in_dim3A : f32 to vector<16xf32>
    %broadcast_in_dim3A_34 = arith.constant 0 : i32
    %broadcast_in_dim3A_35 = vector.broadcast %broadcast_in_dim3A_34 : i32 to vector<16xi32>
    %eq3A_36 = arith.constant 0 : i32
    %eq3A_37 = vector.broadcast %eq3A_36 : i32 to vector<16xi32>
    %eq3A_38 = arith.cmpi eq, %iota3A, %eq3A_37 : vector<16xi32>
    %jit3A_39 = arith.constant 1.000000e+00 : f32
    %jit3A_40 = arith.constant 0.000000e+00 : f32
    %broadcast_in_dim3A_41 = vector.broadcast %jit3A_39 : f32 to vector<16xf32>
    %broadcast_in_dim3A_42 = vector.broadcast %jit3A_40 : f32 to vector<16xf32>
    %select_n3A_43 = arith.select %eq3A_38, %broadcast_in_dim3A_41, %broadcast_in_dim3A_42 : vector<16xi1>, vector<16xf32>
    %eq3A_44 = arith.constant 0 : i32
    %eq3A_45 = vector.broadcast %eq3A_44 : i32 to vector<16xi32>
    %eq3A_46 = arith.cmpi eq, %iota3A, %eq3A_45 : vector<16xi32>
    %lt3A_47 = arith.constant 2 : i32
    %lt3A_48 = vector.broadcast %lt3A_47 : i32 to vector<16xi32>
    %lt3A_49 = arith.cmpi slt, %iota3A, %lt3A_48 : vector<16xi32>
    %scan3A = arith.constant 0 : i32
    %scan3A_50 = arith.constant 0 : i32
    %scan3A_51 = arith.constant 16 : i32
    %scan3A_52 = arith.addi %scan3A_50, %scan3A_51 : i32
    %scan3A_53 = arith.constant 1 : i32
    %scan3A_54 = scf.for %scan3A_110 = %scan3A_50 to %scan3A_52 step %scan3A_53 iter_args(%scan3A_111 = %scan3A) -> (i32)  : i32 {
      %mul3A_112 = arith.constant 16 : i32
      %mul3A_113 = arith.muli %scan3A_110, %mul3A_112 : i32
      %get3A_114 = arith.index_cast %mul3A_113 : i32 to index
      %get3A_115 = tpu.vector_load %arg16[%get3A_114] {strides = array<i32>} : memref<256xf32, #tpu.memory_space<vmem>>, vector<16xf32>,
      %get3A_116 = vector.shape_cast %get3A_115 : vector<16xf32> to vector<16xf32>
      %get3A_117 = arith.index_cast %mul3A_113 : i32 to index
      %get3A_118 = tpu.vector_load %arg15[%get3A_117] {strides = array<i32>} : memref<256xf32, #tpu.memory_space<vmem>>, vector<16xf32>,
      %get3A_119 = vector.shape_cast %get3A_118 : vector<16xf32> to vector<16xf32>
      %sub3A_120 = arith.subf %get3A_116, %get3A_119 : vector<16xf32>
      %bitcast_convert_type3A = tpu.bitcast %sub3A_120 : vector<16xf32> -> vector<16xi32>
      %shift_right_arithmetic3A = arith.constant 23 : i32
      %shift_right_arithmetic3A_121 = vector.broadcast %shift_right_arithmetic3A : i32 to vector<16xi32>
      %shift_right_arithmetic3A_122 = arith.shrsi %bitcast_convert_type3A, %shift_right_arithmetic3A_121 : vector<16xi32>
      %sub3A_123 = arith.constant 127 : i32
      %sub3A_124 = vector.broadcast %sub3A_123 : i32 to vector<16xi32>
      %sub3A_125 = arith.subi %shift_right_arithmetic3A_122, %sub3A_124 : vector<16xi32>
      %and3A_126 = arith.constant 8388607 : i32
      %and3A_127 = vector.broadcast %and3A_126 : i32 to vector<16xi32>
      %and3A_128 = arith.andi %bitcast_convert_type3A, %and3A_127 : vector<16xi32>
      %or3A = arith.constant 1065353216 : i32
      %or3A_129 = vector.broadcast %or3A : i32 to vector<16xi32>
      %or3A_130 = arith.ori %and3A_128, %or3A_129 : vector<16xi32>
      %bitcast_convert_type3A_131 = tpu.bitcast %or3A_130 : vector<16xi32> -> vector<16xf32>
      %sub3A_132 = arith.constant 1.000000e+00 : f32
      %sub3A_133 = vector.broadcast %sub3A_132 : f32 to vector<16xf32>
      %sub3A_134 = arith.subf %bitcast_convert_type3A_131, %sub3A_133 : vector<16xf32>
      %add3A_135 = arith.constant 1.000000e+00 : f32
      %add3A_136 = vector.broadcast %add3A_135 : f32 to vector<16xf32>
      %add3A_137 = arith.addf %bitcast_convert_type3A_131, %add3A_136 : vector<16xf32>
      %div3A_138 = arith.divf %sub3A_134, %add3A_137 : vector<16xf32>
      %mul3A_139 = arith.mulf %div3A_138, %div3A_138 : vector<16xf32>
      %mul3A_140 = arith.constant 0.222222224 : f32
      %mul3A_141 = vector.broadcast %mul3A_140 : f32 to vector<16xf32>
      %mul3A_142 = arith.mulf %mul3A_141, %mul3A_139 : vector<16xf32>
      %add3A_143 = arith.constant 0.285714298 : f32
      %add3A_144 = vector.broadcast %add3A_143 : f32 to vector<16xf32>
      %add3A_145 = arith.addf %mul3A_142, %add3A_144 : vector<16xf32>
      %mul3A_146 = arith.mulf %add3A_145, %mul3A_139 : vector<16xf32>
      %add3A_147 = arith.constant 4.000000e-01 : f32
      %add3A_148 = vector.broadcast %add3A_147 : f32 to vector<16xf32>
      %add3A_149 = arith.addf %mul3A_146, %add3A_148 : vector<16xf32>
      %mul3A_150 = arith.mulf %add3A_149, %mul3A_139 : vector<16xf32>
      %add3A_151 = arith.constant 0.666666686 : f32
      %add3A_152 = vector.broadcast %add3A_151 : f32 to vector<16xf32>
      %add3A_153 = arith.addf %mul3A_150, %add3A_152 : vector<16xf32>
      %mul3A_154 = arith.mulf %add3A_153, %mul3A_139 : vector<16xf32>
      %add3A_155 = arith.constant 2.000000e+00 : f32
      %add3A_156 = vector.broadcast %add3A_155 : f32 to vector<16xf32>
      %add3A_157 = arith.addf %mul3A_154, %add3A_156 : vector<16xf32>
      %convert_element_type3A = arith.sitofp %sub3A_125 : vector<16xi32> to vector<16xf32>
      %mul3A_158 = arith.constant 0.693147182 : f32
      %mul3A_159 = vector.broadcast %mul3A_158 : f32 to vector<16xf32>
      %mul3A_160 = arith.mulf %convert_element_type3A, %mul3A_159 : vector<16xf32>
      %mul3A_161 = arith.mulf %div3A_138, %add3A_157 : vector<16xf32>
      %add3A_162 = arith.addf %mul3A_160, %mul3A_161 : vector<16xf32>
      %swap3A_163 = arith.index_cast %mul3A_113 : i32 to index
      %swap3A_164 = tpu.vector_load %arg14[%swap3A_163] {strides = array<i32>} : memref<272xf32, #tpu.memory_space<vmem>>, vector<16xf32>,
      %swap3A_165 = vector.shape_cast %swap3A_164 : vector<16xf32> to vector<16xf32>
      %swap3A_166 = vector.shape_cast %add3A_162 : vector<16xf32> to vector<16xf32>
      tpu.vector_store %arg14[%swap3A_163], %swap3A_166 {strides = array<i32>} : memref<272xf32, #tpu.memory_space<vmem>>, vector<16xf32>,
      %scan3A_167 = arith.constant 0 : i32
      scf.yield %scan3A_167 : i32
    }
    %scan3A_55 = arith.constant 16 : i32
    %swap3A = arith.constant 0 : index
    %swap3A_56 = tpu.vector_load %arg18[%swap3A] {strides = array<i32>} : memref<48xi32, #tpu.memory_space<vmem>>, vector<16xi32>,
    %swap3A_57 = vector.shape_cast %swap3A_56 : vector<16xi32> to vector<16xi32>
    %swap3A_58 = vector.shape_cast %broadcast_in_dim3A_35 : vector<16xi32> to vector<16xi32>
    tpu.vector_store %arg18[%swap3A], %swap3A_58 {strides = array<i32>} : memref<48xi32, #tpu.memory_space<vmem>>, vector<16xi32>,
    %swap3A_59 = arith.constant 16 : index
    %swap3A_60 = tpu.vector_load %arg18[%swap3A_59] {strides = array<i32>} : memref<48xi32, #tpu.memory_space<vmem>>, vector<16xi32>,
    %swap3A_61 = vector.shape_cast %swap3A_60 : vector<16xi32> to vector<16xi32>
    %swap3A_62 = vector.shape_cast %broadcast_in_dim3A_35 : vector<16xi32> to vector<16xi32>
    tpu.vector_store %arg18[%swap3A_59], %swap3A_62 {strides = array<i32>} : memref<48xi32, #tpu.memory_space<vmem>>, vector<16xi32>,
    %scan3A_63 = arith.constant 0 : i32
    %scan3A_64 = arith.constant 0 : i32
    %scan3A_65 = arith.constant 128 : i32
    %scan3A_66 = arith.addi %scan3A_64, %scan3A_65 : i32
    %scan3A_67 = arith.constant 1 : i32
    %scan3A_68 = scf.for %scan3A_110 = %scan3A_64 to %scan3A_66 step %scan3A_67 iter_args(%scan3A_111 = %scan3A_63) -> (i32)  : i32 {
      %get3A_112 = arith.index_cast %scan3A_110 : i32 to index
      %get3A_113 = tpu.vector_load %arg12[%get3A_112] {strides = array<i32>} : memref<144xi32, #tpu.memory_space<vmem>>, vector<16xi32>,
      %get3A_114 = vector.shape_cast %get3A_113 : vector<16xi32> to vector<16xi32>
      %slice3A_115 = vector.extract_strided_slice %get3A_114 {offsets = [0], sizes = [1], strides = [1]} : vector<16xi32> to vector<1xi32>
      %squeeze3A_116 = vector.extract %slice3A_115[0] : i32 from vector<1xi32>
      %sub3A_117 = arith.subi %squeeze3A_116, %mul3A_32 : i32
      %ge3A = arith.constant 0 : i32
      %ge3A_118 = arith.cmpi sge, %sub3A_117, %ge3A : i32
      %lt3A_119 = arith.constant 8192 : i32
      %lt3A_120 = arith.cmpi slt, %sub3A_117, %lt3A_119 : i32
      %and3A_121 = arith.andi %ge3A_118, %lt3A_120 : i1
      %convert_element_type3A = arith.extui %and3A_121 : i1 to i32
      %cond3A = arith.constant 0 : i32
      %cond3A_122 = arith.cmpi ne, %convert_element_type3A, %cond3A : i32
      scf.if %cond3A_122 {
        %shift_right_arithmetic3A = arith.constant 9 : i32
        %shift_right_arithmetic3A_124 = arith.shrsi %sub3A_117, %shift_right_arithmetic3A : i32
        %get3A_125 = arith.index_cast %shift_right_arithmetic3A_124 : i32 to index
        %get3A_126 = tpu.vector_load %arg18[%get3A_125] {strides = array<i32>} : memref<48xi32, #tpu.memory_space<vmem>>, vector<16xi32>,
        %get3A_127 = vector.shape_cast %get3A_126 : vector<16xi32> to vector<16xi32>
        %slice3A_128 = vector.extract_strided_slice %get3A_127 {offsets = [0], sizes = [1], strides = [1]} : vector<16xi32> to vector<1xi32>
        %squeeze3A_129 = vector.extract %slice3A_128[0] : i32 from vector<1xi32>
        %mul3A_130 = arith.constant 160 : i32
        %mul3A_131 = arith.muli %shift_right_arithmetic3A_124, %mul3A_130 : i32
        %add3A_132 = arith.addi %mul3A_131, %squeeze3A_129 : i32
        %get3A_133 = arith.index_cast %add3A_132 : i32 to index
        %get3A_134 = tpu.vector_load %arg17[%get3A_133] {strides = array<i32>} : memref<2576xi32, #tpu.memory_space<vmem>>, vector<16xi32>,
        %get3A_135 = vector.shape_cast %get3A_134 : vector<16xi32> to vector<16xi32>
        %broadcast_in_dim3A_136 = vector.broadcast %scan3A_110 : i32 to vector<16xi32>
        %select_n3A_137 = arith.select %eq3A_46, %broadcast_in_dim3A_136, %get3A_135 : vector<16xi1>, vector<16xi32>
        %mul3A_138 = arith.constant 160 : i32
        %mul3A_139 = arith.muli %shift_right_arithmetic3A_124, %mul3A_138 : i32
        %add3A_140 = arith.addi %mul3A_139, %squeeze3A_129 : i32
        %swap3A_141 = arith.index_cast %add3A_140 : i32 to index
        %swap3A_142 = tpu.vector_load %arg17[%swap3A_141] {strides = array<i32>} : memref<2576xi32, #tpu.memory_space<vmem>>, vector<16xi32>,
        %swap3A_143 = vector.shape_cast %swap3A_142 : vector<16xi32> to vector<16xi32>
        %swap3A_144 = vector.shape_cast %select_n3A_137 : vector<16xi32> to vector<16xi32>
        tpu.vector_store %arg17[%swap3A_141], %swap3A_144 {strides = array<i32>} : memref<2576xi32, #tpu.memory_space<vmem>>, vector<16xi32>,
        %get3A_145 = arith.index_cast %shift_right_arithmetic3A_124 : i32 to index
        %get3A_146 = tpu.vector_load %arg18[%get3A_145] {strides = array<i32>} : memref<48xi32, #tpu.memory_space<vmem>>, vector<16xi32>,
        %get3A_147 = vector.shape_cast %get3A_146 : vector<16xi32> to vector<16xi32>
        %add3A_148 = arith.constant 1 : i32
        %add3A_149 = arith.addi %squeeze3A_129, %add3A_148 : i32
        %broadcast_in_dim3A_150 = vector.broadcast %add3A_149 : i32 to vector<16xi32>
        %select_n3A_151 = arith.select %eq3A_46, %broadcast_in_dim3A_150, %get3A_147 : vector<16xi1>, vector<16xi32>
        %swap3A_152 = arith.index_cast %shift_right_arithmetic3A_124 : i32 to index
        %swap3A_153 = tpu.vector_load %arg18[%swap3A_152] {strides = array<i32>} : memref<48xi32, #tpu.memory_space<vmem>>, vector<16xi32>,
        %swap3A_154 = vector.shape_cast %swap3A_153 : vector<16xi32> to vector<16xi32>
        %swap3A_155 = vector.shape_cast %select_n3A_151 : vector<16xi32> to vector<16xi32>
        tpu.vector_store %arg18[%swap3A_152], %swap3A_155 {strides = array<i32>} : memref<48xi32, #tpu.memory_space<vmem>>, vector<16xi32>,
        %get3A_156 = arith.index_cast %sub3A_117 : i32 to index
        %get3A_157 = tpu.vector_load %arg19[%get3A_156] {strides = array<i32>} : memref<8208xi32, #tpu.memory_space<vmem>>, vector<16xi32>,
        %get3A_158 = vector.shape_cast %get3A_157 : vector<16xi32> to vector<16xi32>
        %broadcast_in_dim3A_159 = vector.broadcast %scan3A_110 : i32 to vector<16xi32>
        %select_n3A_160 = arith.select %eq3A_46, %broadcast_in_dim3A_159, %get3A_158 : vector<16xi1>, vector<16xi32>
        %swap3A_161 = arith.index_cast %sub3A_117 : i32 to index
        %swap3A_162 = tpu.vector_load %arg19[%swap3A_161] {strides = array<i32>} : memref<8208xi32, #tpu.memory_space<vmem>>, vector<16xi32>,
        %swap3A_163 = vector.shape_cast %swap3A_162 : vector<16xi32> to vector<16xi32>
        %swap3A_164 = vector.shape_cast %select_n3A_160 : vector<16xi32> to vector<16xi32>
        tpu.vector_store %arg19[%swap3A_161], %swap3A_164 {strides = array<i32>} : memref<8208xi32, #tpu.memory_space<vmem>>, vector<16xi32>,
      } else {
      }
      %scan3A_123 = arith.constant 0 : i32
      scf.yield %scan3A_123 : i32
    }
    %scan3A_69 = arith.constant 128 : i32
    %get3A = arith.constant 16 : index
    %get3A_70 = tpu.vector_load %arg18[%get3A] {strides = array<i32>} : memref<48xi32, #tpu.memory_space<vmem>>, vector<16xi32>,
    %get3A_71 = vector.shape_cast %get3A_70 : vector<16xi32> to vector<16xi32>
    %slice3A = vector.extract_strided_slice %get3A_71 {offsets = [0], sizes = [1], strides = [1]} : vector<16xi32> to vector<1xi32>
    %squeeze3A = vector.extract %slice3A[0] : i32 from vector<1xi32>
    %mul3A_72 = arith.constant 0 : i32
    %mul3A_73 = arith.muli %squeeze3A, %mul3A_72 : i32
    %get3A_74 = arith.constant 17 : index
    %get3A_75 = tpu.vector_load %arg18[%get3A_74] {strides = array<i32>} : memref<48xi32, #tpu.memory_space<vmem>>, vector<16xi32>,
    %get3A_76 = vector.shape_cast %get3A_75 : vector<16xi32> to vector<16xi32>
    %slice3A_77 = vector.extract_strided_slice %get3A_76 {offsets = [0], sizes = [1], strides = [1]} : vector<16xi32> to vector<1xi32>
    %squeeze3A_78 = vector.extract %slice3A_77[0] : i32 from vector<1xi32>
    %mul3A_79 = arith.constant 0 : i32
    %mul3A_80 = arith.muli %squeeze3A_78, %mul3A_79 : i32
    %add3A_81 = arith.addi %mul3A_73, %mul3A_80 : i32
    %scan3A_82 = arith.constant 0 : i32
    %scan3A_83 = arith.constant 0 : i32
    %scan3A_84 = arith.constant 512 : i32
    %scan3A_85 = arith.addi %scan3A_83, %scan3A_84 : i32
    %scan3A_86 = arith.constant 1 : i32
    %scan3A_87 = scf.for %scan3A_110 = %scan3A_83 to %scan3A_85 step %scan3A_86 iter_args(%scan3A_111 = %scan3A_82) -> (i32)  : i32 {
      %swap3A_112 = arith.index_cast %scan3A_110 : i32 to index
      %swap3A_113 = arith.constant 0 : index
      %swap3A_114 = tpu.vector_load %arg24[%swap3A_112, %swap3A_113] {strides = array<i32>} : memref<512x80xf32, #tpu.memory_space<vmem>>, vector<1x16xf32>,
      %swap3A_115 = vector.shape_cast %swap3A_114 : vector<1x16xf32> to vector<16xf32>
      %swap3A_116 = vector.shape_cast %select_n3A_43 : vector<16xf32> to vector<1x16xf32>
      tpu.vector_store %arg24[%swap3A_112, %swap3A_113], %swap3A_116 {strides = array<i32>} : memref<512x80xf32, #tpu.memory_space<vmem>>, vector<1x16xf32>,
      %swap3A_117 = arith.index_cast %scan3A_110 : i32 to index
      %swap3A_118 = arith.constant 16 : index
      %swap3A_119 = tpu.vector_load %arg24[%swap3A_117, %swap3A_118] {strides = array<i32>} : memref<512x80xf32, #tpu.memory_space<vmem>>, vector<1x16xf32>,
      %swap3A_120 = vector.shape_cast %swap3A_119 : vector<1x16xf32> to vector<16xf32>
      %swap3A_121 = vector.shape_cast %broadcast_in_dim3A_33 : vector<16xf32> to vector<1x16xf32>
      tpu.vector_store %arg24[%swap3A_117, %swap3A_118], %swap3A_121 {strides = array<i32>} : memref<512x80xf32, #tpu.memory_space<vmem>>, vector<1x16xf32>,
      %swap3A_122 = arith.index_cast %scan3A_110 : i32 to index
      %swap3A_123 = arith.constant 32 : index
      %swap3A_124 = tpu.vector_load %arg24[%swap3A_122, %swap3A_123] {strides = array<i32>} : memref<512x80xf32, #tpu.memory_space<vmem>>, vector<1x16xf32>,
      %swap3A_125 = vector.shape_cast %swap3A_124 : vector<1x16xf32> to vector<16xf32>
      %swap3A_126 = vector.shape_cast %broadcast_in_dim3A_33 : vector<16xf32> to vector<1x16xf32>
      tpu.vector_store %arg24[%swap3A_122, %swap3A_123], %swap3A_126 {strides = array<i32>} : memref<512x80xf32, #tpu.memory_space<vmem>>, vector<1x16xf32>,
      %swap3A_127 = arith.index_cast %scan3A_110 : i32 to index
      %swap3A_128 = arith.constant 48 : index
      %swap3A_129 = tpu.vector_load %arg24[%swap3A_127, %swap3A_128] {strides = array<i32>} : memref<512x80xf32, #tpu.memory_space<vmem>>, vector<1x16xf32>,
      %swap3A_130 = vector.shape_cast %swap3A_129 : vector<1x16xf32> to vector<16xf32>
      %swap3A_131 = vector.shape_cast %broadcast_in_dim3A_33 : vector<16xf32> to vector<1x16xf32>
      tpu.vector_store %arg24[%swap3A_127, %swap3A_128], %swap3A_131 {strides = array<i32>} : memref<512x80xf32, #tpu.memory_space<vmem>>, vector<1x16xf32>,
      %swap3A_132 = arith.index_cast %scan3A_110 : i32 to index
      %swap3A_133 = arith.constant 64 : index
      %swap3A_134 = tpu.vector_load %arg24[%swap3A_132, %swap3A_133] {strides = array<i32>} : memref<512x80xf32, #tpu.memory_space<vmem>>, vector<1x16xf32>,
      %swap3A_135 = vector.shape_cast %swap3A_134 : vector<1x16xf32> to vector<16xf32>
      %swap3A_136 = vector.shape_cast %broadcast_in_dim3A_33 : vector<16xf32> to vector<1x16xf32>
      tpu.vector_store %arg24[%swap3A_132, %swap3A_133], %swap3A_136 {strides = array<i32>} : memref<512x80xf32, #tpu.memory_space<vmem>>, vector<1x16xf32>,
      %scan3A_137 = arith.constant 0 : i32
      scf.yield %scan3A_137 : i32
    }
    %scan3A_88 = arith.constant 512 : i32
    %scan3A_89 = arith.constant 0 : i32
    %scan3A_90 = arith.constant 0 : i32
    %scan3A_91 = arith.constant 32 : i32
    %scan3A_92 = arith.addi %scan3A_90, %scan3A_91 : i32
    %scan3A_93 = arith.constant 1 : i32
    %scan3A_94 = scf.for %scan3A_110 = %scan3A_90 to %scan3A_92 step %scan3A_93 iter_args(%scan3A_111 = %scan3A_89) -> (i32)  : i32 {
      %mul3A_112 = arith.constant 16 : i32
      %mul3A_113 = arith.muli %scan3A_110, %mul3A_112 : i32
      %swap3A_114 = arith.index_cast %mul3A_113 : i32 to index
      %swap3A_115 = tpu.vector_load %arg23[%swap3A_114] {strides = array<i32>} : memref<528xf32, #tpu.memory_space<vmem>>, vector<16xf32>,
      %swap3A_116 = vector.shape_cast %swap3A_115 : vector<16xf32> to vector<16xf32>
      %swap3A_117 = vector.shape_cast %broadcast_in_dim3A_33 : vector<16xf32> to vector<16xf32>
      tpu.vector_store %arg23[%swap3A_114], %swap3A_117 {strides = array<i32>} : memref<528xf32, #tpu.memory_space<vmem>>, vector<16xf32>,
      %scan3A_118 = arith.constant 0 : i32
      scf.yield %scan3A_118 : i32
    }
    %scan3A_95 = arith.constant 32 : i32
    %scan3A_96 = arith.constant 0 : i32
    %scan3A_97 = arith.constant 0 : i32
    %scan3A_98 = arith.constant 128 : i32
    %scan3A_99 = arith.addi %scan3A_97, %scan3A_98 : i32
    %scan3A_100 = arith.constant 1 : i32
    %scan3A_101 = scf.for %scan3A_110 = %scan3A_97 to %scan3A_99 step %scan3A_100 iter_args(%scan3A_111 = %scan3A_96) -> (i32)  : i32 {
      %mul3A_112 = arith.constant 16 : i32
      %mul3A_113 = arith.muli %scan3A_110, %mul3A_112 : i32
      %swap3A_114 = arith.index_cast %mul3A_113 : i32 to index
      %swap3A_115 = tpu.vector_load %arg25[%swap3A_114] {strides = array<i32>} : memref<2064xf32, #tpu.memory_space<vmem>>, vector<16xf32>,
      %swap3A_116 = vector.shape_cast %swap3A_115 : vector<16xf32> to vector<16xf32>
      %swap3A_117 = vector.shape_cast %broadcast_in_dim3A_33 : vector<16xf32> to vector<16xf32>
      tpu.vector_store %arg25[%swap3A_114], %swap3A_117 {strides = array<i32>} : memref<2064xf32, #tpu.memory_space<vmem>>, vector<16xf32>,
      %scan3A_118 = arith.constant 0 : i32
      scf.yield %scan3A_118 : i32
    }
    %scan3A_102 = arith.constant 128 : i32
    %scan3A_103 = arith.constant 0 : i32
    %scan3A_104 = arith.constant 0 : i32
    %scan3A_105 = arith.constant 16 : i32
    %scan3A_106 = arith.addi %scan3A_104, %scan3A_105 : i32
    %scan3A_107 = arith.constant 1 : i32
    %scan3A_108 = scf.for %scan3A_110 = %scan3A_104 to %scan3A_106 step %scan3A_107 iter_args(%scan3A_111 = %scan3A_103) -> (i32)  : i32 {
      %mul3A_112 = arith.constant 512 : i32
      %mul3A_113 = arith.muli %scan3A_110, %mul3A_112 : i32
      %add3A_114 = arith.addi %mul3A_32, %mul3A_113 : i32
      %dma_start3A = tpu.memref_slice %arg6[%select_n3A, %add3A_114] : memref<16x16384xi32, #tpu.memory_space<hbm>> -> memref<1x512xi32, #tpu.memory_space<hbm>>
      %dma_start3A_115 = tpu.memref_squeeze %dma_start3A : memref<1x512xi32, #tpu.memory_space<hbm>> -> memref<512xi32, #tpu.memory_space<hbm>>
      %dma_start3A_116 = tpu.memref_slice %arg6[%select_n3A, %add3A_114] : memref<16x16384xi32, #tpu.memory_space<hbm>> -> memref<1x512xi32, #tpu.memory_space<hbm>>
      %dma_start3A_117 = tpu.memref_squeeze %dma_start3A_116 : memref<1x512xi32, #tpu.memory_space<hbm>> -> memref<512xi32, #tpu.memory_space<hbm>>
      tpu.enqueue_dma source(%dma_start3A_117 : memref<512xi32, #tpu.memory_space<hbm>>) target(%arg20 : memref<512xi32, #tpu.memory_space<vmem>>) target_semaphore(%arg26 : memref<!tpu.dma_semaphore, #tpu.memory_space<semaphore_mem>>)
      %mul3A_118 = arith.constant 4 : i32
      %mul3A_119 = arith.muli %mul3A_118, %add3A_114 : i32
      %dma_start3A_120 = arith.constant 0 : i32
      %dma_start3A_121 = tpu.memref_slice %arg21[%dma_start3A_120] : memref<2064xf32, #tpu.memory_space<vmem>> -> memref<2048xf32, #tpu.memory_space<vmem>>
      %dma_start3A_122 = tpu.memref_slice %arg2[%select_n3A, %mul3A_119] : memref<16x65536xf32, #tpu.memory_space<hbm>> -> memref<1x2048xf32, #tpu.memory_space<hbm>>
      %dma_start3A_123 = tpu.memref_squeeze %dma_start3A_122 : memref<1x2048xf32, #tpu.memory_space<hbm>> -> memref<2048xf32, #tpu.memory_space<hbm>>
      %dma_start3A_124 = arith.constant 0 : i32
      %dma_start3A_125 = tpu.memref_slice %arg21[%dma_start3A_124] : memref<2064xf32, #tpu.memory_space<vmem>> -> memref<2048xf32, #tpu.memory_space<vmem>>
      %dma_start3A_126 = tpu.memref_slice %arg2[%select_n3A, %mul3A_119] : memref<16x65536xf32, #tpu.memory_space<hbm>> -> memref<1x2048xf32, #tpu.memory_space<hbm>>
      %dma_start3A_127 = tpu.memref_squeeze %dma_start3A_126 : memref<1x2048xf32, #tpu.memory_space<hbm>> -> memref<2048xf32, #tpu.memory_space<hbm>>
      tpu.enqueue_dma source(%dma_start3A_127 : memref<2048xf32, #tpu.memory_space<hbm>>) target(%dma_start3A_125 : memref<2048xf32, #tpu.memory_space<vmem>>) target_semaphore(%arg26 : memref<!tpu.dma_semaphore, #tpu.memory_space<semaphore_mem>>)
      %get3A_128 = arith.index_cast %scan3A_110 : i32 to index
      %get3A_129 = tpu.vector_load %arg18[%get3A_128] {strides = array<i32>} : memref<48xi32, #tpu.memory_space<vmem>>, vector<16xi32>,
      %get3A_130 = vector.shape_cast %get3A_129 : vector<16xi32> to vector<16xi32>
      %slice3A_131 = vector.extract_strided_slice %get3A_130 {offsets = [0], sizes = [1], strides = [1]} : vector<16xi32> to vector<1xi32>
      %squeeze3A_132 = vector.extract %slice3A_131[0] : i32 from vector<1xi32>
      %dma_wait3A = tpu.memref_slice %arg6[%select_n3A, %add3A_114] : memref<16x16384xi32, #tpu.memory_space<hbm>> -> memref<1x512xi32, #tpu.memory_space<hbm>>
      %dma_wait3A_133 = tpu.memref_squeeze %dma_wait3A : memref<1x512xi32, #tpu.memory_space<hbm>> -> memref<512xi32, #tpu.memory_space<hbm>>
      %dma_wait3A_134 = tpu.memref_slice %arg6[%select_n3A, %add3A_114] : memref<16x16384xi32, #tpu.memory_space<hbm>> -> memref<1x512xi32, #tpu.memory_space<hbm>>
      %dma_wait3A_135 = tpu.memref_squeeze %dma_wait3A_134 : memref<1x512xi32, #tpu.memory_space<hbm>> -> memref<512xi32, #tpu.memory_space<hbm>>
      tpu.wait_dma2 semaphore(%arg26 : memref<!tpu.dma_semaphore, #tpu.memory_space<semaphore_mem>>) src(%dma_wait3A_135 : memref<512xi32, #tpu.memory_space<hbm>>) dst(%arg20 : memref<512xi32, #tpu.memory_space<vmem>>)
      %dma_wait3A_136 = arith.constant 0 : i32
      %dma_wait3A_137 = tpu.memref_slice %arg21[%dma_wait3A_136] : memref<2064xf32, #tpu.memory_space<vmem>> -> memref<2048xf32, #tpu.memory_space<vmem>>
      %dma_wait3A_138 = tpu.memref_slice %arg2[%select_n3A, %mul3A_119] : memref<16x65536xf32, #tpu.memory_space<hbm>> -> memref<1x2048xf32, #tpu.memory_space<hbm>>
      %dma_wait3A_139 = tpu.memref_squeeze %dma_wait3A_138 : memref<1x2048xf32, #tpu.memory_space<hbm>> -> memref<2048xf32, #tpu.memory_space<hbm>>
      %dma_wait3A_140 = arith.constant 0 : i32
      %dma_wait3A_141 = tpu.memref_slice %arg21[%dma_wait3A_140] : memref<2064xf32, #tpu.memory_space<vmem>> -> memref<2048xf32, #tpu.memory_space<vmem>>
      %dma_wait3A_142 = tpu.memref_slice %arg2[%select_n3A, %mul3A_119] : memref<16x65536xf32, #tpu.memory_space<hbm>> -> memref<1x2048xf32, #tpu.memory_space<hbm>>
      %dma_wait3A_143 = tpu.memref_squeeze %dma_wait3A_142 : memref<1x2048xf32, #tpu.memory_space<hbm>> -> memref<2048xf32, #tpu.memory_space<hbm>>
      tpu.wait_dma2 semaphore(%arg26 : memref<!tpu.dma_semaphore, #tpu.memory_space<semaphore_mem>>) src(%dma_wait3A_143 : memref<2048xf32, #tpu.memory_space<hbm>>) dst(%dma_wait3A_141 : memref<2048xf32, #tpu.memory_space<vmem>>)
      %scan3A_144 = arith.constant 0 : i32
      %scan3A_145 = arith.constant 0 : i32
      %scan3A_146 = arith.constant 32 : i32
      %scan3A_147 = arith.addi %scan3A_145, %scan3A_146 : i32
      %scan3A_148 = arith.constant 1 : i32
      %scan3A_149 = scf.for %scan3A_249 = %scan3A_145 to %scan3A_147 step %scan3A_148 iter_args(%scan3A_250 = %scan3A_144) -> (i32)  : i32 {
        %mul3A_251 = arith.constant 16 : i32
        %mul3A_252 = arith.muli %scan3A_249, %mul3A_251 : i32
        %get3A_253 = arith.index_cast %mul3A_252 : i32 to index
        %get3A_254 = tpu.vector_load %arg20[%get3A_253] {strides = array<i32>} : memref<512xi32, #tpu.memory_space<vmem>>, vector<16xi32>,
        %get3A_255 = vector.shape_cast %get3A_254 : vector<16xi32> to vector<16xi32>
        %gt3A = arith.constant 0 : i32
        %gt3A_256 = vector.broadcast %gt3A : i32 to vector<16xi32>
        %gt3A_257 = arith.cmpi sgt, %get3A_255, %gt3A_256 : vector<16xi32>
        %jit3A_258 = arith.constant -1.000000e+00 : f32
        %jit3A_259 = arith.constant 0.000000e+00 : f32
        %broadcast_in_dim3A_260 = vector.broadcast %jit3A_258 : f32 to vector<16xf32>
        %broadcast_in_dim3A_261 = vector.broadcast %jit3A_259 : f32 to vector<16xf32>
        %select_n3A_262 = arith.select %gt3A_257, %broadcast_in_dim3A_260, %broadcast_in_dim3A_261 : vector<16xi1>, vector<16xf32>
        %swap3A_263 = arith.index_cast %mul3A_252 : i32 to index
        %swap3A_264 = tpu.vector_load %arg22[%swap3A_263] {strides = array<i32>} : memref<528xf32, #tpu.memory_space<vmem>>, vector<16xf32>,
        %swap3A_265 = vector.shape_cast %swap3A_264 : vector<16xf32> to vector<16xf32>
        %swap3A_266 = vector.shape_cast %select_n3A_262 : vector<16xf32> to vector<16xf32>
        tpu.vector_store %arg22[%swap3A_263], %swap3A_266 {strides = array<i32>} : memref<528xf32, #tpu.memory_space<vmem>>, vector<16xf32>,
        %scan3A_267 = arith.constant 0 : i32
        scf.yield %scan3A_267 : i32
      }
      %scan3A_150 = arith.constant 32 : i32
      %while3A = arith.constant 0 : i32
      %while3A_151 = arith.constant 0 : i32
      %while3A_152 = arith.subi %squeeze3A_132, %while3A : i32
      %while3A_153 = arith.addi %while3A, %while3A_152 : i32
      %while3A_154 = arith.constant 1 : i32
      %while3A_155 = arith.divsi %while3A_152, %while3A_154 : i32
      %while3A_156 = arith.muli %while3A_155, %while3A_154 : i32
      %while3A_157 = arith.addi %while3A, %while3A_156 : i32
      %while3A_158 = arith.constant 1 : i32
      %while3A_159 = scf.for %while3A_249 = %while3A to %while3A_157 step %while3A_158 iter_args(%while3A_250 = %while3A_151) -> (i32)  : i32 {
        %mul3A_251 = arith.constant 160 : i32
        %mul3A_252 = arith.muli %scan3A_110, %mul3A_251 : i32
        %add3A_253 = arith.addi %mul3A_252, %while3A_249 : i32
        %get3A_254 = arith.index_cast %add3A_253 : i32 to index
        %get3A_255 = tpu.vector_load %arg17[%get3A_254] {strides = array<i32>} : memref<2576xi32, #tpu.memory_space<vmem>>, vector<16xi32>,
        %get3A_256 = vector.shape_cast %get3A_255 : vector<16xi32> to vector<16xi32>
        %slice3A_257 = vector.extract_strided_slice %get3A_256 {offsets = [0], sizes = [1], strides = [1]} : vector<16xi32> to vector<1xi32>
        %squeeze3A_258 = vector.extract %slice3A_257[0] : i32 from vector<1xi32>
        %get3A_259 = arith.index_cast %squeeze3A_258 : i32 to index
        %get3A_260 = tpu.vector_load %arg12[%get3A_259] {strides = array<i32>} : memref<144xi32, #tpu.memory_space<vmem>>, vector<16xi32>,
        %get3A_261 = vector.shape_cast %get3A_260 : vector<16xi32> to vector<16xi32>
        %slice3A_262 = vector.extract_strided_slice %get3A_261 {offsets = [0], sizes = [1], strides = [1]} : vector<16xi32> to vector<1xi32>
        %squeeze3A_263 = vector.extract %slice3A_262[0] : i32 from vector<1xi32>
        %sub3A_264 = arith.subi %squeeze3A_263, %add3A_114 : i32
        %sub3A_265 = arith.subi %squeeze3A_263, %mul3A_32 : i32
        %get3A_266 = arith.index_cast %sub3A_265 : i32 to index
        %get3A_267 = tpu.vector_load %arg19[%get3A_266] {strides = array<i32>} : memref<8208xi32, #tpu.memory_space<vmem>>, vector<16xi32>,
        %get3A_268 = vector.shape_cast %get3A_267 : vector<16xi32> to vector<16xi32>
        %slice3A_269 = vector.extract_strided_slice %get3A_268 {offsets = [0], sizes = [1], strides = [1]} : vector<16xi32> to vector<1xi32>
        %squeeze3A_270 = vector.extract %slice3A_269[0] : i32 from vector<1xi32>
        %eq3A_271 = arith.cmpi eq, %squeeze3A_270, %squeeze3A_258 : i32
        %convert_element_type3A = arith.extui %eq3A_271 : i1 to i32
        %cond3A = arith.constant 0 : i32
        %cond3A_272 = arith.cmpi ne, %convert_element_type3A, %cond3A : i32
        scf.if %cond3A_272 {
          %get3A_274 = arith.index_cast %sub3A_264 : i32 to index
          %get3A_275 = tpu.vector_load %arg22[%get3A_274] {strides = array<i32>} : memref<528xf32, #tpu.memory_space<vmem>>, vector<16xf32>,
          %get3A_276 = vector.shape_cast %get3A_275 : vector<16xf32> to vector<16xf32>
          %jit3A_277 = arith.constant 1.000000e+00 : f32
          %broadcast_in_dim3A_278 = vector.broadcast %jit3A_277 : f32 to vector<16xf32>
          %select_n3A_279 = arith.select %eq3A_46, %broadcast_in_dim3A_278, %get3A_276 : vector<16xi1>, vector<16xf32>
          %swap3A_280 = arith.index_cast %sub3A_264 : i32 to index
          %swap3A_281 = tpu.vector_load %arg22[%swap3A_280] {strides = array<i32>} : memref<528xf32, #tpu.memory_space<vmem>>, vector<16xf32>,
          %swap3A_282 = vector.shape_cast %swap3A_281 : vector<16xf32> to vector<16xf32>
          %swap3A_283 = vector.shape_cast %select_n3A_279 : vector<16xf32> to vector<16xf32>
          tpu.vector_store %arg22[%swap3A_280], %swap3A_283 {strides = array<i32>} : memref<528xf32, #tpu.memory_space<vmem>>, vector<16xf32>,
          %get3A_284 = arith.index_cast %sub3A_264 : i32 to index
          %get3A_285 = tpu.vector_load %arg23[%get3A_284] {strides = array<i32>} : memref<528xf32, #tpu.memory_space<vmem>>, vector<16xf32>,
          %get3A_286 = vector.shape_cast %get3A_285 : vector<16xf32> to vector<16xf32>
          %jit3A_287 = arith.constant 1.000000e+00 : f32
          %broadcast_in_dim3A_288 = vector.broadcast %jit3A_287 : f32 to vector<16xf32>
          %select_n3A_289 = arith.select %eq3A_46, %broadcast_in_dim3A_288, %get3A_286 : vector<16xi1>, vector<16xf32>
          %swap3A_290 = arith.index_cast %sub3A_264 : i32 to index
          %swap3A_291 = tpu.vector_load %arg23[%swap3A_290] {strides = array<i32>} : memref<528xf32, #tpu.memory_space<vmem>>, vector<16xf32>,
          %swap3A_292 = vector.shape_cast %swap3A_291 : vector<16xf32> to vector<16xf32>
          %swap3A_293 = vector.shape_cast %select_n3A_289 : vector<16xf32> to vector<16xf32>
          tpu.vector_store %arg23[%swap3A_290], %swap3A_293 {strides = array<i32>} : memref<528xf32, #tpu.memory_space<vmem>>, vector<16xf32>,
          %get3A_294 = arith.index_cast %squeeze3A_258 : i32 to index
          %get3A_295 = tpu.vector_load %arg13[%get3A_294] {strides = array<i32>} : memref<144xi32, #tpu.memory_space<vmem>>, vector<16xi32>,
          %get3A_296 = vector.shape_cast %get3A_295 : vector<16xi32> to vector<16xi32>
          %slice3A_297 = vector.extract_strided_slice %get3A_296 {offsets = [0], sizes = [1], strides = [1]} : vector<16xi32> to vector<1xi32>
          %squeeze3A_298 = vector.extract %slice3A_297[0] : i32 from vector<1xi32>
          %get3A_299 = arith.index_cast %sub3A_264 : i32 to index
          %get3A_300 = arith.index_cast %add3A_81 : i32 to index
          %get3A_301 = tpu.vector_load %arg24[%get3A_299, %get3A_300] {strides = array<i32>} : memref<512x80xf32, #tpu.memory_space<vmem>>, vector<1x16xf32>,
          %get3A_302 = vector.shape_cast %get3A_301 : vector<1x16xf32> to vector<16xf32>
          %jit3A_303 = arith.constant 0.000000e+00 : f32
          %broadcast_in_dim3A_304 = vector.broadcast %jit3A_303 : f32 to vector<16xf32>
          %select_n3A_305 = arith.select %eq3A_46, %broadcast_in_dim3A_304, %get3A_302 : vector<16xi1>, vector<16xf32>
          %swap3A_306 = arith.index_cast %sub3A_264 : i32 to index
          %swap3A_307 = arith.index_cast %add3A_81 : i32 to index
          %swap3A_308 = tpu.vector_load %arg24[%swap3A_306, %swap3A_307] {strides = array<i32>} : memref<512x80xf32, #tpu.memory_space<vmem>>, vector<1x16xf32>,
          %swap3A_309 = vector.shape_cast %swap3A_308 : vector<1x16xf32> to vector<16xf32>
          %swap3A_310 = vector.shape_cast %select_n3A_305 : vector<16xf32> to vector<1x16xf32>
          tpu.vector_store %arg24[%swap3A_306, %swap3A_307], %swap3A_310 {strides = array<i32>} : memref<512x80xf32, #tpu.memory_space<vmem>>, vector<1x16xf32>,
          %get3A_311 = arith.index_cast %sub3A_264 : i32 to index
          %get3A_312 = arith.index_cast %squeeze3A_298 : i32 to index
          %get3A_313 = tpu.vector_load %arg24[%get3A_311, %get3A_312] {strides = array<i32>} : memref<512x80xf32, #tpu.memory_space<vmem>>, vector<1x16xf32>,
          %get3A_314 = vector.shape_cast %get3A_313 : vector<1x16xf32> to vector<16xf32>
          %jit3A_315 = arith.constant 1.000000e+00 : f32
          %broadcast_in_dim3A_316 = vector.broadcast %jit3A_315 : f32 to vector<16xf32>
          %select_n3A_317 = arith.select %eq3A_46, %broadcast_in_dim3A_316, %get3A_314 : vector<16xi1>, vector<16xf32>
          %swap3A_318 = arith.index_cast %sub3A_264 : i32 to index
          %swap3A_319 = arith.index_cast %squeeze3A_298 : i32 to index
          %swap3A_320 = tpu.vector_load %arg24[%swap3A_318, %swap3A_319] {strides = array<i32>} : memref<512x80xf32, #tpu.memory_space<vmem>>, vector<1x16xf32>,
          %swap3A_321 = vector.shape_cast %swap3A_320 : vector<1x16xf32> to vector<16xf32>
          %swap3A_322 = vector.shape_cast %select_n3A_317 : vector<16xf32> to vector<1x16xf32>
          tpu.vector_store %arg24[%swap3A_318, %swap3A_319], %swap3A_322 {strides = array<i32>} : memref<512x80xf32, #tpu.memory_space<vmem>>, vector<1x16xf32>,
          %mul3A_323 = arith.constant 4 : i32
          %mul3A_324 = arith.muli %mul3A_323, %sub3A_264 : i32
          %get3A_325 = arith.index_cast %mul3A_324 : i32 to index
          %get3A_326 = tpu.vector_load %arg21[%get3A_325] {strides = array<i32>} : memref<2064xf32, #tpu.memory_space<vmem>>, vector<16xf32>,
          %get3A_327 = vector.shape_cast %get3A_326 : vector<16xf32> to vector<16xf32>
          %mul3A_328 = arith.constant 2 : i32
          %mul3A_329 = arith.muli %mul3A_328, %squeeze3A_258 : i32
          %get3A_330 = arith.index_cast %mul3A_329 : i32 to index
          %get3A_331 = tpu.vector_load %arg14[%get3A_330] {strides = array<i32>} : memref<272xf32, #tpu.memory_space<vmem>>, vector<16xf32>,
          %get3A_332 = vector.shape_cast %get3A_331 : vector<16xf32> to vector<16xf32>
          %bitcast_convert_type3A = tpu.bitcast %get3A_327 : vector<16xf32> -> vector<16xi32>
          %shift_right_arithmetic3A = arith.constant 23 : i32
          %shift_right_arithmetic3A_333 = vector.broadcast %shift_right_arithmetic3A : i32 to vector<16xi32>
          %shift_right_arithmetic3A_334 = arith.shrsi %bitcast_convert_type3A, %shift_right_arithmetic3A_333 : vector<16xi32>
          %sub3A_335 = arith.constant 127 : i32
          %sub3A_336 = vector.broadcast %sub3A_335 : i32 to vector<16xi32>
          %sub3A_337 = arith.subi %shift_right_arithmetic3A_334, %sub3A_336 : vector<16xi32>
          %and3A_338 = arith.constant 8388607 : i32
          %and3A_339 = vector.broadcast %and3A_338 : i32 to vector<16xi32>
          %and3A_340 = arith.andi %bitcast_convert_type3A, %and3A_339 : vector<16xi32>
          %or3A = arith.constant 1065353216 : i32
          %or3A_341 = vector.broadcast %or3A : i32 to vector<16xi32>
          %or3A_342 = arith.ori %and3A_340, %or3A_341 : vector<16xi32>
          %bitcast_convert_type3A_343 = tpu.bitcast %or3A_342 : vector<16xi32> -> vector<16xf32>
          %sub3A_344 = arith.constant 1.000000e+00 : f32
          %sub3A_345 = vector.broadcast %sub3A_344 : f32 to vector<16xf32>
          %sub3A_346 = arith.subf %bitcast_convert_type3A_343, %sub3A_345 : vector<16xf32>
          %add3A_347 = arith.constant 1.000000e+00 : f32
          %add3A_348 = vector.broadcast %add3A_347 : f32 to vector<16xf32>
          %add3A_349 = arith.addf %bitcast_convert_type3A_343, %add3A_348 : vector<16xf32>
          %div3A_350 = arith.divf %sub3A_346, %add3A_349 : vector<16xf32>
          %mul3A_351 = arith.mulf %div3A_350, %div3A_350 : vector<16xf32>
          %mul3A_352 = arith.constant 0.222222224 : f32
          %mul3A_353 = vector.broadcast %mul3A_352 : f32 to vector<16xf32>
          %mul3A_354 = arith.mulf %mul3A_353, %mul3A_351 : vector<16xf32>
          %add3A_355 = arith.constant 0.285714298 : f32
          %add3A_356 = vector.broadcast %add3A_355 : f32 to vector<16xf32>
          %add3A_357 = arith.addf %mul3A_354, %add3A_356 : vector<16xf32>
          %mul3A_358 = arith.mulf %add3A_357, %mul3A_351 : vector<16xf32>
          %add3A_359 = arith.constant 4.000000e-01 : f32
          %add3A_360 = vector.broadcast %add3A_359 : f32 to vector<16xf32>
          %add3A_361 = arith.addf %mul3A_358, %add3A_360 : vector<16xf32>
          %mul3A_362 = arith.mulf %add3A_361, %mul3A_351 : vector<16xf32>
          %add3A_363 = arith.constant 0.666666686 : f32
          %add3A_364 = vector.broadcast %add3A_363 : f32 to vector<16xf32>
          %add3A_365 = arith.addf %mul3A_362, %add3A_364 : vector<16xf32>
          %mul3A_366 = arith.mulf %add3A_365, %mul3A_351 : vector<16xf32>
          %add3A_367 = arith.constant 2.000000e+00 : f32
          %add3A_368 = vector.broadcast %add3A_367 : f32 to vector<16xf32>
          %add3A_369 = arith.addf %mul3A_366, %add3A_368 : vector<16xf32>
          %convert_element_type3A_370 = arith.sitofp %sub3A_337 : vector<16xi32> to vector<16xf32>
          %mul3A_371 = arith.constant 0.693147182 : f32
          %mul3A_372 = vector.broadcast %mul3A_371 : f32 to vector<16xf32>
          %mul3A_373 = arith.mulf %convert_element_type3A_370, %mul3A_372 : vector<16xf32>
          %mul3A_374 = arith.mulf %div3A_350, %add3A_369 : vector<16xf32>
          %add3A_375 = arith.addf %mul3A_373, %mul3A_374 : vector<16xf32>
          %sub3A_376 = arith.subf %get3A_332, %add3A_375 : vector<16xf32>
          %mul3A_377 = arith.constant 4 : i32
          %mul3A_378 = arith.muli %mul3A_377, %sub3A_264 : i32
          %add3A_379 = arith.constant 2 : i32
          %add3A_380 = arith.addi %mul3A_378, %add3A_379 : i32
          %get3A_381 = arith.index_cast %add3A_380 : i32 to index
          %get3A_382 = tpu.vector_load %arg25[%get3A_381] {strides = array<i32>} : memref<2064xf32, #tpu.memory_space<vmem>>, vector<16xf32>,
          %get3A_383 = vector.shape_cast %get3A_382 : vector<16xf32> to vector<16xf32>
          %select_n3A_384 = arith.select %lt3A_49, %sub3A_376, %get3A_383 : vector<16xi1>, vector<16xf32>
          %mul3A_385 = arith.constant 4 : i32
          %mul3A_386 = arith.muli %mul3A_385, %sub3A_264 : i32
          %add3A_387 = arith.constant 2 : i32
          %add3A_388 = arith.addi %mul3A_386, %add3A_387 : i32
          %swap3A_389 = arith.index_cast %add3A_388 : i32 to index
          %swap3A_390 = tpu.vector_load %arg25[%swap3A_389] {strides = array<i32>} : memref<2064xf32, #tpu.memory_space<vmem>>, vector<16xf32>,
          %swap3A_391 = vector.shape_cast %swap3A_390 : vector<16xf32> to vector<16xf32>
          %swap3A_392 = vector.shape_cast %select_n3A_384 : vector<16xf32> to vector<16xf32>
          tpu.vector_store %arg25[%swap3A_389], %swap3A_392 {strides = array<i32>} : memref<2064xf32, #tpu.memory_space<vmem>>, vector<16xf32>,
        } else {
        }
        %while3A_273 = arith.constant 0 : i32
        scf.yield %while3A_273 : i32
      }
      %while3A_160 = arith.constant 1 : i32
      %while3A_161 = scf.for %while3A_249 = %while3A_157 to %while3A_153 step %while3A_160 iter_args(%while3A_250 = %while3A_159) -> (i32)  : i32 {
        %mul3A_251 = arith.constant 160 : i32
        %mul3A_252 = arith.muli %scan3A_110, %mul3A_251 : i32
        %add3A_253 = arith.addi %mul3A_252, %while3A_249 : i32
        %get3A_254 = arith.index_cast %add3A_253 : i32 to index
        %get3A_255 = tpu.vector_load %arg17[%get3A_254] {strides = array<i32>} : memref<2576xi32, #tpu.memory_space<vmem>>, vector<16xi32>,
        %get3A_256 = vector.shape_cast %get3A_255 : vector<16xi32> to vector<16xi32>
        %slice3A_257 = vector.extract_strided_slice %get3A_256 {offsets = [0], sizes = [1], strides = [1]} : vector<16xi32> to vector<1xi32>
        %squeeze3A_258 = vector.extract %slice3A_257[0] : i32 from vector<1xi32>
        %get3A_259 = arith.index_cast %squeeze3A_258 : i32 to index
        %get3A_260 = tpu.vector_load %arg12[%get3A_259] {strides = array<i32>} : memref<144xi32, #tpu.memory_space<vmem>>, vector<16xi32>,
        %get3A_261 = vector.shape_cast %get3A_260 : vector<16xi32> to vector<16xi32>
        %slice3A_262 = vector.extract_strided_slice %get3A_261 {offsets = [0], sizes = [1], strides = [1]} : vector<16xi32> to vector<1xi32>
        %squeeze3A_263 = vector.extract %slice3A_262[0] : i32 from vector<1xi32>
        %sub3A_264 = arith.subi %squeeze3A_263, %add3A_114 : i32
        %sub3A_265 = arith.subi %squeeze3A_263, %mul3A_32 : i32
        %get3A_266 = arith.index_cast %sub3A_265 : i32 to index
        %get3A_267 = tpu.vector_load %arg19[%get3A_266] {strides = array<i32>} : memref<8208xi32, #tpu.memory_space<vmem>>, vector<16xi32>,
        %get3A_268 = vector.shape_cast %get3A_267 : vector<16xi32> to vector<16xi32>
        %slice3A_269 = vector.extract_strided_slice %get3A_268 {offsets = [0], sizes = [1], strides = [1]} : vector<16xi32> to vector<1xi32>
        %squeeze3A_270 = vector.extract %slice3A_269[0] : i32 from vector<1xi32>
        %eq3A_271 = arith.cmpi eq, %squeeze3A_270, %squeeze3A_258 : i32
        %convert_element_type3A = arith.extui %eq3A_271 : i1 to i32
        %cond3A = arith.constant 0 : i32
        %cond3A_272 = arith.cmpi ne, %convert_element_type3A, %cond3A : i32
        scf.if %cond3A_272 {
          %get3A_274 = arith.index_cast %sub3A_264 : i32 to index
          %get3A_275 = tpu.vector_load %arg22[%get3A_274] {strides = array<i32>} : memref<528xf32, #tpu.memory_space<vmem>>, vector<16xf32>,
          %get3A_276 = vector.shape_cast %get3A_275 : vector<16xf32> to vector<16xf32>
          %jit3A_277 = arith.constant 1.000000e+00 : f32
          %broadcast_in_dim3A_278 = vector.broadcast %jit3A_277 : f32 to vector<16xf32>
          %select_n3A_279 = arith.select %eq3A_46, %broadcast_in_dim3A_278, %get3A_276 : vector<16xi1>, vector<16xf32>
          %swap3A_280 = arith.index_cast %sub3A_264 : i32 to index
          %swap3A_281 = tpu.vector_load %arg22[%swap3A_280] {strides = array<i32>} : memref<528xf32, #tpu.memory_space<vmem>>, vector<16xf32>,
          %swap3A_282 = vector.shape_cast %swap3A_281 : vector<16xf32> to vector<16xf32>
          %swap3A_283 = vector.shape_cast %select_n3A_279 : vector<16xf32> to vector<16xf32>
          tpu.vector_store %arg22[%swap3A_280], %swap3A_283 {strides = array<i32>} : memref<528xf32, #tpu.memory_space<vmem>>, vector<16xf32>,
          %get3A_284 = arith.index_cast %sub3A_264 : i32 to index
          %get3A_285 = tpu.vector_load %arg23[%get3A_284] {strides = array<i32>} : memref<528xf32, #tpu.memory_space<vmem>>, vector<16xf32>,
          %get3A_286 = vector.shape_cast %get3A_285 : vector<16xf32> to vector<16xf32>
          %jit3A_287 = arith.constant 1.000000e+00 : f32
          %broadcast_in_dim3A_288 = vector.broadcast %jit3A_287 : f32 to vector<16xf32>
          %select_n3A_289 = arith.select %eq3A_46, %broadcast_in_dim3A_288, %get3A_286 : vector<16xi1>, vector<16xf32>
          %swap3A_290 = arith.index_cast %sub3A_264 : i32 to index
          %swap3A_291 = tpu.vector_load %arg23[%swap3A_290] {strides = array<i32>} : memref<528xf32, #tpu.memory_space<vmem>>, vector<16xf32>,
          %swap3A_292 = vector.shape_cast %swap3A_291 : vector<16xf32> to vector<16xf32>
          %swap3A_293 = vector.shape_cast %select_n3A_289 : vector<16xf32> to vector<16xf32>
          tpu.vector_store %arg23[%swap3A_290], %swap3A_293 {strides = array<i32>} : memref<528xf32, #tpu.memory_space<vmem>>, vector<16xf32>,
          %get3A_294 = arith.index_cast %squeeze3A_258 : i32 to index
          %get3A_295 = tpu.vector_load %arg13[%get3A_294] {strides = array<i32>} : memref<144xi32, #tpu.memory_space<vmem>>, vector<16xi32>,
          %get3A_296 = vector.shape_cast %get3A_295 : vector<16xi32> to vector<16xi32>
          %slice3A_297 = vector.extract_strided_slice %get3A_296 {offsets = [0], sizes = [1], strides = [1]} : vector<16xi32> to vector<1xi32>
          %squeeze3A_298 = vector.extract %slice3A_297[0] : i32 from vector<1xi32>
          %get3A_299 = arith.index_cast %sub3A_264 : i32 to index
          %get3A_300 = arith.index_cast %add3A_81 : i32 to index
          %get3A_301 = tpu.vector_load %arg24[%get3A_299, %get3A_300] {strides = array<i32>} : memref<512x80xf32, #tpu.memory_space<vmem>>, vector<1x16xf32>,
          %get3A_302 = vector.shape_cast %get3A_301 : vector<1x16xf32> to vector<16xf32>
          %jit3A_303 = arith.constant 0.000000e+00 : f32
          %broadcast_in_dim3A_304 = vector.broadcast %jit3A_303 : f32 to vector<16xf32>
          %select_n3A_305 = arith.select %eq3A_46, %broadcast_in_dim3A_304, %get3A_302 : vector<16xi1>, vector<16xf32>
          %swap3A_306 = arith.index_cast %sub3A_264 : i32 to index
          %swap3A_307 = arith.index_cast %add3A_81 : i32 to index
          %swap3A_308 = tpu.vector_load %arg24[%swap3A_306, %swap3A_307] {strides = array<i32>} : memref<512x80xf32, #tpu.memory_space<vmem>>, vector<1x16xf32>,
          %swap3A_309 = vector.shape_cast %swap3A_308 : vector<1x16xf32> to vector<16xf32>
          %swap3A_310 = vector.shape_cast %select_n3A_305 : vector<16xf32> to vector<1x16xf32>
          tpu.vector_store %arg24[%swap3A_306, %swap3A_307], %swap3A_310 {strides = array<i32>} : memref<512x80xf32, #tpu.memory_space<vmem>>, vector<1x16xf32>,
          %get3A_311 = arith.index_cast %sub3A_264 : i32 to index
          %get3A_312 = arith.index_cast %squeeze3A_298 : i32 to index
          %get3A_313 = tpu.vector_load %arg24[%get3A_311, %get3A_312] {strides = array<i32>} : memref<512x80xf32, #tpu.memory_space<vmem>>, vector<1x16xf32>,
          %get3A_314 = vector.shape_cast %get3A_313 : vector<1x16xf32> to vector<16xf32>
          %jit3A_315 = arith.constant 1.000000e+00 : f32
          %broadcast_in_dim3A_316 = vector.broadcast %jit3A_315 : f32 to vector<16xf32>
          %select_n3A_317 = arith.select %eq3A_46, %broadcast_in_dim3A_316, %get3A_314 : vector<16xi1>, vector<16xf32>
          %swap3A_318 = arith.index_cast %sub3A_264 : i32 to index
          %swap3A_319 = arith.index_cast %squeeze3A_298 : i32 to index
          %swap3A_320 = tpu.vector_load %arg24[%swap3A_318, %swap3A_319] {strides = array<i32>} : memref<512x80xf32, #tpu.memory_space<vmem>>, vector<1x16xf32>,
          %swap3A_321 = vector.shape_cast %swap3A_320 : vector<1x16xf32> to vector<16xf32>
          %swap3A_322 = vector.shape_cast %select_n3A_317 : vector<16xf32> to vector<1x16xf32>
          tpu.vector_store %arg24[%swap3A_318, %swap3A_319], %swap3A_322 {strides = array<i32>} : memref<512x80xf32, #tpu.memory_space<vmem>>, vector<1x16xf32>,
          %mul3A_323 = arith.constant 4 : i32
          %mul3A_324 = arith.muli %mul3A_323, %sub3A_264 : i32
          %get3A_325 = arith.index_cast %mul3A_324 : i32 to index
          %get3A_326 = tpu.vector_load %arg21[%get3A_325] {strides = array<i32>} : memref<2064xf32, #tpu.memory_space<vmem>>, vector<16xf32>,
          %get3A_327 = vector.shape_cast %get3A_326 : vector<16xf32> to vector<16xf32>
          %mul3A_328 = arith.constant 2 : i32
          %mul3A_329 = arith.muli %mul3A_328, %squeeze3A_258 : i32
          %get3A_330 = arith.index_cast %mul3A_329 : i32 to index
          %get3A_331 = tpu.vector_load %arg14[%get3A_330] {strides = array<i32>} : memref<272xf32, #tpu.memory_space<vmem>>, vector<16xf32>,
          %get3A_332 = vector.shape_cast %get3A_331 : vector<16xf32> to vector<16xf32>
          %bitcast_convert_type3A = tpu.bitcast %get3A_327 : vector<16xf32> -> vector<16xi32>
          %shift_right_arithmetic3A = arith.constant 23 : i32
          %shift_right_arithmetic3A_333 = vector.broadcast %shift_right_arithmetic3A : i32 to vector<16xi32>
          %shift_right_arithmetic3A_334 = arith.shrsi %bitcast_convert_type3A, %shift_right_arithmetic3A_333 : vector<16xi32>
          %sub3A_335 = arith.constant 127 : i32
          %sub3A_336 = vector.broadcast %sub3A_335 : i32 to vector<16xi32>
          %sub3A_337 = arith.subi %shift_right_arithmetic3A_334, %sub3A_336 : vector<16xi32>
          %and3A_338 = arith.constant 8388607 : i32
          %and3A_339 = vector.broadcast %and3A_338 : i32 to vector<16xi32>
          %and3A_340 = arith.andi %bitcast_convert_type3A, %and3A_339 : vector<16xi32>
          %or3A = arith.constant 1065353216 : i32
          %or3A_341 = vector.broadcast %or3A : i32 to vector<16xi32>
          %or3A_342 = arith.ori %and3A_340, %or3A_341 : vector<16xi32>
          %bitcast_convert_type3A_343 = tpu.bitcast %or3A_342 : vector<16xi32> -> vector<16xf32>
          %sub3A_344 = arith.constant 1.000000e+00 : f32
          %sub3A_345 = vector.broadcast %sub3A_344 : f32 to vector<16xf32>
          %sub3A_346 = arith.subf %bitcast_convert_type3A_343, %sub3A_345 : vector<16xf32>
          %add3A_347 = arith.constant 1.000000e+00 : f32
          %add3A_348 = vector.broadcast %add3A_347 : f32 to vector<16xf32>
          %add3A_349 = arith.addf %bitcast_convert_type3A_343, %add3A_348 : vector<16xf32>
          %div3A_350 = arith.divf %sub3A_346, %add3A_349 : vector<16xf32>
          %mul3A_351 = arith.mulf %div3A_350, %div3A_350 : vector<16xf32>
          %mul3A_352 = arith.constant 0.222222224 : f32
          %mul3A_353 = vector.broadcast %mul3A_352 : f32 to vector<16xf32>
          %mul3A_354 = arith.mulf %mul3A_353, %mul3A_351 : vector<16xf32>
          %add3A_355 = arith.constant 0.285714298 : f32
          %add3A_356 = vector.broadcast %add3A_355 : f32 to vector<16xf32>
          %add3A_357 = arith.addf %mul3A_354, %add3A_356 : vector<16xf32>
          %mul3A_358 = arith.mulf %add3A_357, %mul3A_351 : vector<16xf32>
          %add3A_359 = arith.constant 4.000000e-01 : f32
          %add3A_360 = vector.broadcast %add3A_359 : f32 to vector<16xf32>
          %add3A_361 = arith.addf %mul3A_358, %add3A_360 : vector<16xf32>
          %mul3A_362 = arith.mulf %add3A_361, %mul3A_351 : vector<16xf32>
          %add3A_363 = arith.constant 0.666666686 : f32
          %add3A_364 = vector.broadcast %add3A_363 : f32 to vector<16xf32>
          %add3A_365 = arith.addf %mul3A_362, %add3A_364 : vector<16xf32>
          %mul3A_366 = arith.mulf %add3A_365, %mul3A_351 : vector<16xf32>
          %add3A_367 = arith.constant 2.000000e+00 : f32
          %add3A_368 = vector.broadcast %add3A_367 : f32 to vector<16xf32>
          %add3A_369 = arith.addf %mul3A_366, %add3A_368 : vector<16xf32>
          %convert_element_type3A_370 = arith.sitofp %sub3A_337 : vector<16xi32> to vector<16xf32>
          %mul3A_371 = arith.constant 0.693147182 : f32
          %mul3A_372 = vector.broadcast %mul3A_371 : f32 to vector<16xf32>
          %mul3A_373 = arith.mulf %convert_element_type3A_370, %mul3A_372 : vector<16xf32>
          %mul3A_374 = arith.mulf %div3A_350, %add3A_369 : vector<16xf32>
          %add3A_375 = arith.addf %mul3A_373, %mul3A_374 : vector<16xf32>
          %sub3A_376 = arith.subf %get3A_332, %add3A_375 : vector<16xf32>
          %mul3A_377 = arith.constant 4 : i32
          %mul3A_378 = arith.muli %mul3A_377, %sub3A_264 : i32
          %add3A_379 = arith.constant 2 : i32
          %add3A_380 = arith.addi %mul3A_378, %add3A_379 : i32
          %get3A_381 = arith.index_cast %add3A_380 : i32 to index
          %get3A_382 = tpu.vector_load %arg25[%get3A_381] {strides = array<i32>} : memref<2064xf32, #tpu.memory_space<vmem>>, vector<16xf32>,
          %get3A_383 = vector.shape_cast %get3A_382 : vector<16xf32> to vector<16xf32>
          %select_n3A_384 = arith.select %lt3A_49, %sub3A_376, %get3A_383 : vector<16xi1>, vector<16xf32>
          %mul3A_385 = arith.constant 4 : i32
          %mul3A_386 = arith.muli %mul3A_385, %sub3A_264 : i32
          %add3A_387 = arith.constant 2 : i32
          %add3A_388 = arith.addi %mul3A_386, %add3A_387 : i32
          %swap3A_389 = arith.index_cast %add3A_388 : i32 to index
          %swap3A_390 = tpu.vector_load %arg25[%swap3A_389] {strides = array<i32>} : memref<2064xf32, #tpu.memory_space<vmem>>, vector<16xf32>,
          %swap3A_391 = vector.shape_cast %swap3A_390 : vector<16xf32> to vector<16xf32>
          %swap3A_392 = vector.shape_cast %select_n3A_384 : vector<16xf32> to vector<16xf32>
          tpu.vector_store %arg25[%swap3A_389], %swap3A_392 {strides = array<i32>} : memref<2064xf32, #tpu.memory_space<vmem>>, vector<16xf32>,
        } else {
        }
        %while3A_273 = arith.constant 0 : i32
        scf.yield %while3A_273 : i32
      }
      %dma_start3A_162 = arith.constant 0 : i32
      %dma_start3A_163 = tpu.memref_slice %arg22[%dma_start3A_162] : memref<528xf32, #tpu.memory_space<vmem>> -> memref<512xf32, #tpu.memory_space<vmem>>
      %dma_start3A_164 = tpu.memref_slice %arg8[%select_n3A, %add3A_114] : memref<16x16384xf32, #tpu.memory_space<hbm>> -> memref<1x512xf32, #tpu.memory_space<hbm>>
      %dma_start3A_165 = tpu.memref_squeeze %dma_start3A_164 : memref<1x512xf32, #tpu.memory_space<hbm>> -> memref<512xf32, #tpu.memory_space<hbm>>
      %dma_start3A_166 = tpu.memref_slice %arg8[%select_n3A, %add3A_114] : memref<16x16384xf32, #tpu.memory_space<hbm>> -> memref<1x512xf32, #tpu.memory_space<hbm>>
      %dma_start3A_167 = tpu.memref_squeeze %dma_start3A_166 : memref<1x512xf32, #tpu.memory_space<hbm>> -> memref<512xf32, #tpu.memory_space<hbm>>
      %dma_start3A_168 = arith.constant 0 : i32
      %dma_start3A_169 = tpu.memref_slice %arg22[%dma_start3A_168] : memref<528xf32, #tpu.memory_space<vmem>> -> memref<512xf32, #tpu.memory_space<vmem>>
      tpu.enqueue_dma source(%dma_start3A_169 : memref<512xf32, #tpu.memory_space<vmem>>) target(%dma_start3A_167 : memref<512xf32, #tpu.memory_space<hbm>>) target_semaphore(%arg27 : memref<!tpu.dma_semaphore, #tpu.memory_space<semaphore_mem>>)
      %dma_start3A_170 = arith.constant 0 : i32
      %dma_start3A_171 = tpu.memref_slice %arg23[%dma_start3A_170] : memref<528xf32, #tpu.memory_space<vmem>> -> memref<512xf32, #tpu.memory_space<vmem>>
      %dma_start3A_172 = tpu.memref_slice %arg9[%select_n3A, %add3A_114] : memref<16x16384xf32, #tpu.memory_space<hbm>> -> memref<1x512xf32, #tpu.memory_space<hbm>>
      %dma_start3A_173 = tpu.memref_squeeze %dma_start3A_172 : memref<1x512xf32, #tpu.memory_space<hbm>> -> memref<512xf32, #tpu.memory_space<hbm>>
      %dma_start3A_174 = tpu.memref_slice %arg9[%select_n3A, %add3A_114] : memref<16x16384xf32, #tpu.memory_space<hbm>> -> memref<1x512xf32, #tpu.memory_space<hbm>>
      %dma_start3A_175 = tpu.memref_squeeze %dma_start3A_174 : memref<1x512xf32, #tpu.memory_space<hbm>> -> memref<512xf32, #tpu.memory_space<hbm>>
      %dma_start3A_176 = arith.constant 0 : i32
      %dma_start3A_177 = tpu.memref_slice %arg23[%dma_start3A_176] : memref<528xf32, #tpu.memory_space<vmem>> -> memref<512xf32, #tpu.memory_space<vmem>>
      tpu.enqueue_dma source(%dma_start3A_177 : memref<512xf32, #tpu.memory_space<vmem>>) target(%dma_start3A_175 : memref<512xf32, #tpu.memory_space<hbm>>) target_semaphore(%arg27 : memref<!tpu.dma_semaphore, #tpu.memory_space<semaphore_mem>>)
      %dma_start3A_178 = arith.constant 0 : i32
      %dma_start3A_179 = arith.constant 0 : i32
      %dma_start3A_180 = tpu.memref_slice %arg24[%dma_start3A_178, %dma_start3A_179] : memref<512x80xf32, #tpu.memory_space<vmem>> -> memref<512x80xf32, #tpu.memory_space<vmem>>
      %dma_start3A_181 = arith.constant 0 : i32
      %dma_start3A_182 = tpu.memref_slice %arg10[%select_n3A, %add3A_114, %dma_start3A_181] : memref<16x16384x80xf32, #tpu.memory_space<hbm>> -> memref<1x512x80xf32, #tpu.memory_space<hbm>>
      %dma_start3A_183 = tpu.memref_squeeze %dma_start3A_182 : memref<1x512x80xf32, #tpu.memory_space<hbm>> -> memref<512x80xf32, #tpu.memory_space<hbm>>
      %dma_start3A_184 = arith.constant 0 : i32
      %dma_start3A_185 = tpu.memref_slice %arg10[%select_n3A, %add3A_114, %dma_start3A_184] : memref<16x16384x80xf32, #tpu.memory_space<hbm>> -> memref<1x512x80xf32, #tpu.memory_space<hbm>>
      %dma_start3A_186 = tpu.memref_squeeze %dma_start3A_185 : memref<1x512x80xf32, #tpu.memory_space<hbm>> -> memref<512x80xf32, #tpu.memory_space<hbm>>
      %dma_start3A_187 = arith.constant 0 : i32
      %dma_start3A_188 = arith.constant 0 : i32
      %dma_start3A_189 = tpu.memref_slice %arg24[%dma_start3A_187, %dma_start3A_188] : memref<512x80xf32, #tpu.memory_space<vmem>> -> memref<512x80xf32, #tpu.memory_space<vmem>>
      tpu.enqueue_dma source(%dma_start3A_189 : memref<512x80xf32, #tpu.memory_space<vmem>>) target(%dma_start3A_186 : memref<512x80xf32, #tpu.memory_space<hbm>>) target_semaphore(%arg27 : memref<!tpu.dma_semaphore, #tpu.memory_space<semaphore_mem>>)
      %mul3A_190 = arith.constant 4 : i32
      %mul3A_191 = arith.muli %mul3A_190, %add3A_114 : i32
      %dma_start3A_192 = arith.constant 0 : i32
      %dma_start3A_193 = tpu.memref_slice %arg25[%dma_start3A_192] : memref<2064xf32, #tpu.memory_space<vmem>> -> memref<2048xf32, #tpu.memory_space<vmem>>
      %dma_start3A_194 = tpu.memref_slice %arg11[%select_n3A, %mul3A_191] : memref<16x65536xf32, #tpu.memory_space<hbm>> -> memref<1x2048xf32, #tpu.memory_space<hbm>>
      %dma_start3A_195 = tpu.memref_squeeze %dma_start3A_194 : memref<1x2048xf32, #tpu.memory_space<hbm>> -> memref<2048xf32, #tpu.memory_space<hbm>>
      %dma_start3A_196 = tpu.memref_slice %arg11[%select_n3A, %mul3A_191] : memref<16x65536xf32, #tpu.memory_space<hbm>> -> memref<1x2048xf32, #tpu.memory_space<hbm>>
      %dma_start3A_197 = tpu.memref_squeeze %dma_start3A_196 : memref<1x2048xf32, #tpu.memory_space<hbm>> -> memref<2048xf32, #tpu.memory_space<hbm>>
      %dma_start3A_198 = arith.constant 0 : i32
      %dma_start3A_199 = tpu.memref_slice %arg25[%dma_start3A_198] : memref<2064xf32, #tpu.memory_space<vmem>> -> memref<2048xf32, #tpu.memory_space<vmem>>
      tpu.enqueue_dma source(%dma_start3A_199 : memref<2048xf32, #tpu.memory_space<vmem>>) target(%dma_start3A_197 : memref<2048xf32, #tpu.memory_space<hbm>>) target_semaphore(%arg27 : memref<!tpu.dma_semaphore, #tpu.memory_space<semaphore_mem>>)
      %dma_wait3A_200 = arith.constant 0 : i32
      %dma_wait3A_201 = tpu.memref_slice %arg22[%dma_wait3A_200] : memref<528xf32, #tpu.memory_space<vmem>> -> memref<512xf32, #tpu.memory_space<vmem>>
      %dma_wait3A_202 = tpu.memref_slice %arg8[%select_n3A, %add3A_114] : memref<16x16384xf32, #tpu.memory_space<hbm>> -> memref<1x512xf32, #tpu.memory_space<hbm>>
      %dma_wait3A_203 = tpu.memref_squeeze %dma_wait3A_202 : memref<1x512xf32, #tpu.memory_space<hbm>> -> memref<512xf32, #tpu.memory_space<hbm>>
      %dma_wait3A_204 = tpu.memref_slice %arg8[%select_n3A, %add3A_114] : memref<16x16384xf32, #tpu.memory_space<hbm>> -> memref<1x512xf32, #tpu.memory_space<hbm>>
      %dma_wait3A_205 = tpu.memref_squeeze %dma_wait3A_204 : memref<1x512xf32, #tpu.memory_space<hbm>> -> memref<512xf32, #tpu.memory_space<hbm>>
      %dma_wait3A_206 = arith.constant 0 : i32
      %dma_wait3A_207 = tpu.memref_slice %arg22[%dma_wait3A_206] : memref<528xf32, #tpu.memory_space<vmem>> -> memref<512xf32, #tpu.memory_space<vmem>>
      tpu.wait_dma2 semaphore(%arg27 : memref<!tpu.dma_semaphore, #tpu.memory_space<semaphore_mem>>) src(%dma_wait3A_207 : memref<512xf32, #tpu.memory_space<vmem>>) dst(%dma_wait3A_205 : memref<512xf32, #tpu.memory_space<hbm>>)
      %dma_wait3A_208 = arith.constant 0 : i32
      %dma_wait3A_209 = tpu.memref_slice %arg23[%dma_wait3A_208] : memref<528xf32, #tpu.memory_space<vmem>> -> memref<512xf32, #tpu.memory_space<vmem>>
      %dma_wait3A_210 = tpu.memref_slice %arg9[%select_n3A, %add3A_114] : memref<16x16384xf32, #tpu.memory_space<hbm>> -> memref<1x512xf32, #tpu.memory_space<hbm>>
      %dma_wait3A_211 = tpu.memref_squeeze %dma_wait3A_210 : memref<1x512xf32, #tpu.memory_space<hbm>> -> memref<512xf32, #tpu.memory_space<hbm>>
      %dma_wait3A_212 = tpu.memref_slice %arg9[%select_n3A, %add3A_114] : memref<16x16384xf32, #tpu.memory_space<hbm>> -> memref<1x512xf32, #tpu.memory_space<hbm>>
      %dma_wait3A_213 = tpu.memref_squeeze %dma_wait3A_212 : memref<1x512xf32, #tpu.memory_space<hbm>> -> memref<512xf32, #tpu.memory_space<hbm>>
      %dma_wait3A_214 = arith.constant 0 : i32
      %dma_wait3A_215 = tpu.memref_slice %arg23[%dma_wait3A_214] : memref<528xf32, #tpu.memory_space<vmem>> -> memref<512xf32, #tpu.memory_space<vmem>>
      tpu.wait_dma2 semaphore(%arg27 : memref<!tpu.dma_semaphore, #tpu.memory_space<semaphore_mem>>) src(%dma_wait3A_215 : memref<512xf32, #tpu.memory_space<vmem>>) dst(%dma_wait3A_213 : memref<512xf32, #tpu.memory_space<hbm>>)
      %dma_wait3A_216 = arith.constant 0 : i32
      %dma_wait3A_217 = arith.constant 0 : i32
      %dma_wait3A_218 = tpu.memref_slice %arg24[%dma_wait3A_216, %dma_wait3A_217] : memref<512x80xf32, #tpu.memory_space<vmem>> -> memref<512x80xf32, #tpu.memory_space<vmem>>
      %dma_wait3A_219 = arith.constant 0 : i32
      %dma_wait3A_220 = tpu.memref_slice %arg10[%select_n3A, %add3A_114, %dma_wait3A_219] : memref<16x16384x80xf32, #tpu.memory_space<hbm>> -> memref<1x512x80xf32, #tpu.memory_space<hbm>>
      %dma_wait3A_221 = tpu.memref_squeeze %dma_wait3A_220 : memref<1x512x80xf32, #tpu.memory_space<hbm>> -> memref<512x80xf32, #tpu.memory_space<hbm>>
      %dma_wait3A_222 = arith.constant 0 : i32
      %dma_wait3A_223 = tpu.memref_slice %arg10[%select_n3A, %add3A_114, %dma_wait3A_222] : memref<16x16384x80xf32, #tpu.memory_space<hbm>> -> memref<1x512x80xf32, #tpu.memory_space<hbm>>
      %dma_wait3A_224 = tpu.memref_squeeze %dma_wait3A_223 : memref<1x512x80xf32, #tpu.memory_space<hbm>> -> memref<512x80xf32, #tpu.memory_space<hbm>>
      %dma_wait3A_225 = arith.constant 0 : i32
      %dma_wait3A_226 = arith.constant 0 : i32
      %dma_wait3A_227 = tpu.memref_slice %arg24[%dma_wait3A_225, %dma_wait3A_226] : memref<512x80xf32, #tpu.memory_space<vmem>> -> memref<512x80xf32, #tpu.memory_space<vmem>>
      tpu.wait_dma2 semaphore(%arg27 : memref<!tpu.dma_semaphore, #tpu.memory_space<semaphore_mem>>) src(%dma_wait3A_227 : memref<512x80xf32, #tpu.memory_space<vmem>>) dst(%dma_wait3A_224 : memref<512x80xf32, #tpu.memory_space<hbm>>)
      %dma_wait3A_228 = arith.constant 0 : i32
      %dma_wait3A_229 = tpu.memref_slice %arg25[%dma_wait3A_228] : memref<2064xf32, #tpu.memory_space<vmem>> -> memref<2048xf32, #tpu.memory_space<vmem>>
      %dma_wait3A_230 = tpu.memref_slice %arg11[%select_n3A, %mul3A_191] : memref<16x65536xf32, #tpu.memory_space<hbm>> -> memref<1x2048xf32, #tpu.memory_space<hbm>>
      %dma_wait3A_231 = tpu.memref_squeeze %dma_wait3A_230 : memref<1x2048xf32, #tpu.memory_space<hbm>> -> memref<2048xf32, #tpu.memory_space<hbm>>
      %dma_wait3A_232 = tpu.memref_slice %arg11[%select_n3A, %mul3A_191] : memref<16x65536xf32, #tpu.memory_space<hbm>> -> memref<1x2048xf32, #tpu.memory_space<hbm>>
      %dma_wait3A_233 = tpu.memref_squeeze %dma_wait3A_232 : memref<1x2048xf32, #tpu.memory_space<hbm>> -> memref<2048xf32, #tpu.memory_space<hbm>>
      %dma_wait3A_234 = arith.constant 0 : i32
      %dma_wait3A_235 = tpu.memref_slice %arg25[%dma_wait3A_234] : memref<2064xf32, #tpu.memory_space<vmem>> -> memref<2048xf32, #tpu.memory_space<vmem>>
      tpu.wait_dma2 semaphore(%arg27 : memref<!tpu.dma_semaphore, #tpu.memory_space<semaphore_mem>>) src(%dma_wait3A_235 : memref<2048xf32, #tpu.memory_space<vmem>>) dst(%dma_wait3A_233 : memref<2048xf32, #tpu.memory_space<hbm>>)
      %while3A_236 = arith.constant 0 : i32
      %while3A_237 = arith.constant 0 : i32
      %while3A_238 = arith.subi %squeeze3A_132, %while3A_236 : i32
      %while3A_239 = arith.addi %while3A_236, %while3A_238 : i32
      %while3A_240 = arith.constant 1 : i32
      %while3A_241 = arith.divsi %while3A_238, %while3A_240 : i32
      %while3A_242 = arith.muli %while3A_241, %while3A_240 : i32
      %while3A_243 = arith.addi %while3A_236, %while3A_242 : i32
      %while3A_244 = arith.constant 1 : i32
      %while3A_245 = scf.for %while3A_249 = %while3A_236 to %while3A_243 step %while3A_244 iter_args(%while3A_250 = %while3A_237) -> (i32)  : i32 {
        %mul3A_251 = arith.constant 160 : i32
        %mul3A_252 = arith.muli %scan3A_110, %mul3A_251 : i32
        %add3A_253 = arith.addi %mul3A_252, %while3A_249 : i32
        %get3A_254 = arith.index_cast %add3A_253 : i32 to index
        %get3A_255 = tpu.vector_load %arg17[%get3A_254] {strides = array<i32>} : memref<2576xi32, #tpu.memory_space<vmem>>, vector<16xi32>,
        %get3A_256 = vector.shape_cast %get3A_255 : vector<16xi32> to vector<16xi32>
        %slice3A_257 = vector.extract_strided_slice %get3A_256 {offsets = [0], sizes = [1], strides = [1]} : vector<16xi32> to vector<1xi32>
        %squeeze3A_258 = vector.extract %slice3A_257[0] : i32 from vector<1xi32>
        %get3A_259 = arith.index_cast %squeeze3A_258 : i32 to index
        %get3A_260 = tpu.vector_load %arg12[%get3A_259] {strides = array<i32>} : memref<144xi32, #tpu.memory_space<vmem>>, vector<16xi32>,
        %get3A_261 = vector.shape_cast %get3A_260 : vector<16xi32> to vector<16xi32>
        %slice3A_262 = vector.extract_strided_slice %get3A_261 {offsets = [0], sizes = [1], strides = [1]} : vector<16xi32> to vector<1xi32>
        %squeeze3A_263 = vector.extract %slice3A_262[0] : i32 from vector<1xi32>
        %sub3A_264 = arith.subi %squeeze3A_263, %add3A_114 : i32
        %get3A_265 = arith.index_cast %squeeze3A_258 : i32 to index
        %get3A_266 = tpu.vector_load %arg13[%get3A_265] {strides = array<i32>} : memref<144xi32, #tpu.memory_space<vmem>>, vector<16xi32>,
        %get3A_267 = vector.shape_cast %get3A_266 : vector<16xi32> to vector<16xi32>
        %slice3A_268 = vector.extract_strided_slice %get3A_267 {offsets = [0], sizes = [1], strides = [1]} : vector<16xi32> to vector<1xi32>
        %squeeze3A_269 = vector.extract %slice3A_268[0] : i32 from vector<1xi32>
        %get3A_270 = arith.index_cast %sub3A_264 : i32 to index
        %get3A_271 = arith.index_cast %squeeze3A_269 : i32 to index
        %get3A_272 = tpu.vector_load %arg24[%get3A_270, %get3A_271] {strides = array<i32>} : memref<512x80xf32, #tpu.memory_space<vmem>>, vector<1x16xf32>,
        %get3A_273 = vector.shape_cast %get3A_272 : vector<1x16xf32> to vector<16xf32>
        %jit3A_274 = arith.constant 0.000000e+00 : f32
        %broadcast_in_dim3A_275 = vector.broadcast %jit3A_274 : f32 to vector<16xf32>
        %select_n3A_276 = arith.select %eq3A_46, %broadcast_in_dim3A_275, %get3A_273 : vector<16xi1>, vector<16xf32>
        %swap3A_277 = arith.index_cast %sub3A_264 : i32 to index
        %swap3A_278 = arith.index_cast %squeeze3A_269 : i32 to index
        %swap3A_279 = tpu.vector_load %arg24[%swap3A_277, %swap3A_278] {strides = array<i32>} : memref<512x80xf32, #tpu.memory_space<vmem>>, vector<1x16xf32>,
        %swap3A_280 = vector.shape_cast %swap3A_279 : vector<1x16xf32> to vector<16xf32>
        %swap3A_281 = vector.shape_cast %select_n3A_276 : vector<16xf32> to vector<1x16xf32>
        tpu.vector_store %arg24[%swap3A_277, %swap3A_278], %swap3A_281 {strides = array<i32>} : memref<512x80xf32, #tpu.memory_space<vmem>>, vector<1x16xf32>,
        %get3A_282 = arith.index_cast %sub3A_264 : i32 to index
        %get3A_283 = arith.index_cast %add3A_81 : i32 to index
        %get3A_284 = tpu.vector_load %arg24[%get3A_282, %get3A_283] {strides = array<i32>} : memref<512x80xf32, #tpu.memory_space<vmem>>, vector<1x16xf32>,
        %get3A_285 = vector.shape_cast %get3A_284 : vector<1x16xf32> to vector<16xf32>
        %jit3A_286 = arith.constant 1.000000e+00 : f32
        %broadcast_in_dim3A_287 = vector.broadcast %jit3A_286 : f32 to vector<16xf32>
        %select_n3A_288 = arith.select %eq3A_46, %broadcast_in_dim3A_287, %get3A_285 : vector<16xi1>, vector<16xf32>
        %swap3A_289 = arith.index_cast %sub3A_264 : i32 to index
        %swap3A_290 = arith.index_cast %add3A_81 : i32 to index
        %swap3A_291 = tpu.vector_load %arg24[%swap3A_289, %swap3A_290] {strides = array<i32>} : memref<512x80xf32, #tpu.memory_space<vmem>>, vector<1x16xf32>,
        %swap3A_292 = vector.shape_cast %swap3A_291 : vector<1x16xf32> to vector<16xf32>
        %swap3A_293 = vector.shape_cast %select_n3A_288 : vector<16xf32> to vector<1x16xf32>
        tpu.vector_store %arg24[%swap3A_289, %swap3A_290], %swap3A_293 {strides = array<i32>} : memref<512x80xf32, #tpu.memory_space<vmem>>, vector<1x16xf32>,
        %mul3A_294 = arith.constant 4 : i32
        %mul3A_295 = arith.muli %mul3A_294, %sub3A_264 : i32
        %add3A_296 = arith.constant 2 : i32
        %add3A_297 = arith.addi %mul3A_295, %add3A_296 : i32
        %get3A_298 = arith.index_cast %add3A_297 : i32 to index
        %get3A_299 = tpu.vector_load %arg25[%get3A_298] {strides = array<i32>} : memref<2064xf32, #tpu.memory_space<vmem>>, vector<16xf32>,
        %get3A_300 = vector.shape_cast %get3A_299 : vector<16xf32> to vector<16xf32>
        %jit3A_301 = arith.constant 0.000000e+00 : f32
        %broadcast_in_dim3A_302 = vector.broadcast %jit3A_301 : f32 to vector<16xf32>
        %select_n3A_303 = arith.select %lt3A_49, %broadcast_in_dim3A_302, %get3A_300 : vector<16xi1>, vector<16xf32>
        %mul3A_304 = arith.constant 4 : i32
        %mul3A_305 = arith.muli %mul3A_304, %sub3A_264 : i32
        %add3A_306 = arith.constant 2 : i32
        %add3A_307 = arith.addi %mul3A_305, %add3A_306 : i32
        %swap3A_308 = arith.index_cast %add3A_307 : i32 to index
        %swap3A_309 = tpu.vector_load %arg25[%swap3A_308] {strides = array<i32>} : memref<2064xf32, #tpu.memory_space<vmem>>, vector<16xf32>,
        %swap3A_310 = vector.shape_cast %swap3A_309 : vector<16xf32> to vector<16xf32>
        %swap3A_311 = vector.shape_cast %select_n3A_303 : vector<16xf32> to vector<16xf32>
        tpu.vector_store %arg25[%swap3A_308], %swap3A_311 {strides = array<i32>} : memref<2064xf32, #tpu.memory_space<vmem>>, vector<16xf32>,
        %get3A_312 = arith.index_cast %sub3A_264 : i32 to index
        %get3A_313 = tpu.vector_load %arg23[%get3A_312] {strides = array<i32>} : memref<528xf32, #tpu.memory_space<vmem>>, vector<16xf32>,
        %get3A_314 = vector.shape_cast %get3A_313 : vector<16xf32> to vector<16xf32>
        %jit3A_315 = arith.constant 0.000000e+00 : f32
        %broadcast_in_dim3A_316 = vector.broadcast %jit3A_315 : f32 to vector<16xf32>
        %select_n3A_317 = arith.select %eq3A_46, %broadcast_in_dim3A_316, %get3A_314 : vector<16xi1>, vector<16xf32>
        %swap3A_318 = arith.index_cast %sub3A_264 : i32 to index
        %swap3A_319 = tpu.vector_load %arg23[%swap3A_318] {strides = array<i32>} : memref<528xf32, #tpu.memory_space<vmem>>, vector<16xf32>,
        %swap3A_320 = vector.shape_cast %swap3A_319 : vector<16xf32> to vector<16xf32>
        %swap3A_321 = vector.shape_cast %select_n3A_317 : vector<16xf32> to vector<16xf32>
        tpu.vector_store %arg23[%swap3A_318], %swap3A_321 {strides = array<i32>} : memref<528xf32, #tpu.memory_space<vmem>>, vector<16xf32>,
        %while3A_322 = arith.constant 0 : i32
        scf.yield %while3A_322 : i32
      }
      %while3A_246 = arith.constant 1 : i32
      %while3A_247 = scf.for %while3A_249 = %while3A_243 to %while3A_239 step %while3A_246 iter_args(%while3A_250 = %while3A_245) -> (i32)  : i32 {
        %mul3A_251 = arith.constant 160 : i32
        %mul3A_252 = arith.muli %scan3A_110, %mul3A_251 : i32
        %add3A_253 = arith.addi %mul3A_252, %while3A_249 : i32
        %get3A_254 = arith.index_cast %add3A_253 : i32 to index
        %get3A_255 = tpu.vector_load %arg17[%get3A_254] {strides = array<i32>} : memref<2576xi32, #tpu.memory_space<vmem>>, vector<16xi32>,
        %get3A_256 = vector.shape_cast %get3A_255 : vector<16xi32> to vector<16xi32>
        %slice3A_257 = vector.extract_strided_slice %get3A_256 {offsets = [0], sizes = [1], strides = [1]} : vector<16xi32> to vector<1xi32>
        %squeeze3A_258 = vector.extract %slice3A_257[0] : i32 from vector<1xi32>
        %get3A_259 = arith.index_cast %squeeze3A_258 : i32 to index
        %get3A_260 = tpu.vector_load %arg12[%get3A_259] {strides = array<i32>} : memref<144xi32, #tpu.memory_space<vmem>>, vector<16xi32>,
        %get3A_261 = vector.shape_cast %get3A_260 : vector<16xi32> to vector<16xi32>
        %slice3A_262 = vector.extract_strided_slice %get3A_261 {offsets = [0], sizes = [1], strides = [1]} : vector<16xi32> to vector<1xi32>
        %squeeze3A_263 = vector.extract %slice3A_262[0] : i32 from vector<1xi32>
        %sub3A_264 = arith.subi %squeeze3A_263, %add3A_114 : i32
        %get3A_265 = arith.index_cast %squeeze3A_258 : i32 to index
        %get3A_266 = tpu.vector_load %arg13[%get3A_265] {strides = array<i32>} : memref<144xi32, #tpu.memory_space<vmem>>, vector<16xi32>,
        %get3A_267 = vector.shape_cast %get3A_266 : vector<16xi32> to vector<16xi32>
        %slice3A_268 = vector.extract_strided_slice %get3A_267 {offsets = [0], sizes = [1], strides = [1]} : vector<16xi32> to vector<1xi32>
        %squeeze3A_269 = vector.extract %slice3A_268[0] : i32 from vector<1xi32>
        %get3A_270 = arith.index_cast %sub3A_264 : i32 to index
        %get3A_271 = arith.index_cast %squeeze3A_269 : i32 to index
        %get3A_272 = tpu.vector_load %arg24[%get3A_270, %get3A_271] {strides = array<i32>} : memref<512x80xf32, #tpu.memory_space<vmem>>, vector<1x16xf32>,
        %get3A_273 = vector.shape_cast %get3A_272 : vector<1x16xf32> to vector<16xf32>
        %jit3A_274 = arith.constant 0.000000e+00 : f32
        %broadcast_in_dim3A_275 = vector.broadcast %jit3A_274 : f32 to vector<16xf32>
        %select_n3A_276 = arith.select %eq3A_46, %broadcast_in_dim3A_275, %get3A_273 : vector<16xi1>, vector<16xf32>
        %swap3A_277 = arith.index_cast %sub3A_264 : i32 to index
        %swap3A_278 = arith.index_cast %squeeze3A_269 : i32 to index
        %swap3A_279 = tpu.vector_load %arg24[%swap3A_277, %swap3A_278] {strides = array<i32>} : memref<512x80xf32, #tpu.memory_space<vmem>>, vector<1x16xf32>,
        %swap3A_280 = vector.shape_cast %swap3A_279 : vector<1x16xf32> to vector<16xf32>
        %swap3A_281 = vector.shape_cast %select_n3A_276 : vector<16xf32> to vector<1x16xf32>
        tpu.vector_store %arg24[%swap3A_277, %swap3A_278], %swap3A_281 {strides = array<i32>} : memref<512x80xf32, #tpu.memory_space<vmem>>, vector<1x16xf32>,
        %get3A_282 = arith.index_cast %sub3A_264 : i32 to index
        %get3A_283 = arith.index_cast %add3A_81 : i32 to index
        %get3A_284 = tpu.vector_load %arg24[%get3A_282, %get3A_283] {strides = array<i32>} : memref<512x80xf32, #tpu.memory_space<vmem>>, vector<1x16xf32>,
        %get3A_285 = vector.shape_cast %get3A_284 : vector<1x16xf32> to vector<16xf32>
        %jit3A_286 = arith.constant 1.000000e+00 : f32
        %broadcast_in_dim3A_287 = vector.broadcast %jit3A_286 : f32 to vector<16xf32>
        %select_n3A_288 = arith.select %eq3A_46, %broadcast_in_dim3A_287, %get3A_285 : vector<16xi1>, vector<16xf32>
        %swap3A_289 = arith.index_cast %sub3A_264 : i32 to index
        %swap3A_290 = arith.index_cast %add3A_81 : i32 to index
        %swap3A_291 = tpu.vector_load %arg24[%swap3A_289, %swap3A_290] {strides = array<i32>} : memref<512x80xf32, #tpu.memory_space<vmem>>, vector<1x16xf32>,
        %swap3A_292 = vector.shape_cast %swap3A_291 : vector<1x16xf32> to vector<16xf32>
        %swap3A_293 = vector.shape_cast %select_n3A_288 : vector<16xf32> to vector<1x16xf32>
        tpu.vector_store %arg24[%swap3A_289, %swap3A_290], %swap3A_293 {strides = array<i32>} : memref<512x80xf32, #tpu.memory_space<vmem>>, vector<1x16xf32>,
        %mul3A_294 = arith.constant 4 : i32
        %mul3A_295 = arith.muli %mul3A_294, %sub3A_264 : i32
        %add3A_296 = arith.constant 2 : i32
        %add3A_297 = arith.addi %mul3A_295, %add3A_296 : i32
        %get3A_298 = arith.index_cast %add3A_297 : i32 to index
        %get3A_299 = tpu.vector_load %arg25[%get3A_298] {strides = array<i32>} : memref<2064xf32, #tpu.memory_space<vmem>>, vector<16xf32>,
        %get3A_300 = vector.shape_cast %get3A_299 : vector<16xf32> to vector<16xf32>
        %jit3A_301 = arith.constant 0.000000e+00 : f32
        %broadcast_in_dim3A_302 = vector.broadcast %jit3A_301 : f32 to vector<16xf32>
        %select_n3A_303 = arith.select %lt3A_49, %broadcast_in_dim3A_302, %get3A_300 : vector<16xi1>, vector<16xf32>
        %mul3A_304 = arith.constant 4 : i32
        %mul3A_305 = arith.muli %mul3A_304, %sub3A_264 : i32
        %add3A_306 = arith.constant 2 : i32
        %add3A_307 = arith.addi %mul3A_305, %add3A_306 : i32
        %swap3A_308 = arith.index_cast %add3A_307 : i32 to index
        %swap3A_309 = tpu.vector_load %arg25[%swap3A_308] {strides = array<i32>} : memref<2064xf32, #tpu.memory_space<vmem>>, vector<16xf32>,
        %swap3A_310 = vector.shape_cast %swap3A_309 : vector<16xf32> to vector<16xf32>
        %swap3A_311 = vector.shape_cast %select_n3A_303 : vector<16xf32> to vector<16xf32>
        tpu.vector_store %arg25[%swap3A_308], %swap3A_311 {strides = array<i32>} : memref<2064xf32, #tpu.memory_space<vmem>>, vector<16xf32>,
        %get3A_312 = arith.index_cast %sub3A_264 : i32 to index
        %get3A_313 = tpu.vector_load %arg23[%get3A_312] {strides = array<i32>} : memref<528xf32, #tpu.memory_space<vmem>>, vector<16xf32>,
        %get3A_314 = vector.shape_cast %get3A_313 : vector<16xf32> to vector<16xf32>
        %jit3A_315 = arith.constant 0.000000e+00 : f32
        %broadcast_in_dim3A_316 = vector.broadcast %jit3A_315 : f32 to vector<16xf32>
        %select_n3A_317 = arith.select %eq3A_46, %broadcast_in_dim3A_316, %get3A_314 : vector<16xi1>, vector<16xf32>
        %swap3A_318 = arith.index_cast %sub3A_264 : i32 to index
        %swap3A_319 = tpu.vector_load %arg23[%swap3A_318] {strides = array<i32>} : memref<528xf32, #tpu.memory_space<vmem>>, vector<16xf32>,
        %swap3A_320 = vector.shape_cast %swap3A_319 : vector<16xf32> to vector<16xf32>
        %swap3A_321 = vector.shape_cast %select_n3A_317 : vector<16xf32> to vector<16xf32>
        tpu.vector_store %arg23[%swap3A_318], %swap3A_321 {strides = array<i32>} : memref<528xf32, #tpu.memory_space<vmem>>, vector<16xf32>,
        %while3A_322 = arith.constant 0 : i32
        scf.yield %while3A_322 : i32
      }
      %scan3A_248 = arith.constant 0 : i32
      scf.yield %scan3A_248 : i32
    }
    %scan3A_109 = arith.constant 16 : i32
    return
  }
}

</mosaic_0001>

<sc_bundles>
// kernel: kernel.3.cloned.1.call-start
scs
__scs_entry_jumppad:
0x0: {  	(pc) =	sbr.rel $0x88, $3  }
0x1: {  	(tag) =	ssettag $0x0;
	lr =	simm.s32 $0x1  }
0x2: {  	[smem:$0x3F9D] =	sst lr;
	_ =	strace $0xD0000000  }
0x3: {  	_ = 	snop  }
0x4: {  	_ = 	snop  }
0x5: {  	_ = 	snop  }
0x6: {  	_ = 	snop  }
0x7: {  	_ = 	snop  }
__scs_overlays_trampoline_lowered:
0x8: {  	[smem:$0x3FAC] =	sst s0  }
0x9: {  	[smem:$0x3FAD] =	sst s1  }
0xa: {  	[smem:$0x3FAE] =	sst s2  }
0xb: {  	[smem:$0x3FAF] =	sst s3  }
0xc: {  	[smem:$0x3FB0] =	sst s4  }
0xd: {  	[smem:$0x3FB1] =	sst s5  }
0xe: {  	[smem:$0x3FB2] =	sst s6  }
0xf: {  	[smem:$0x3FB3] =	sst s7  }
0x10: {  	[smem:$0x3FB4] =	sst s8  }
0x11: {  	[smem:$0x3FB5] =	sst s9;
	s0 =	simm.s32 @!p0 $0x0  }
0x12: {  	s1 =	sld [smem:$0x3F9B];
	s0 =	simm.s32 @p0 $0x1  }
0x13: {  	[smem:$0x3FB6] =	sst s0;
	s0 =	simm.s32 @!p1 $0x0  }
0x14: {  	s2 =	sld [smem:$0x3F9A];
	s0 =	simm.s32 @p1 $0x1  }
0x15: {  	[smem:$0x3FB7] =	sst s0;
	s0 =	simm.s32 @!p2 $0x0  }
0x16: {  	s3 =	sld [smem:$0x3FDB];
	s0 =	simm.s32 @p2 $0x1  }
0x17: {  	s4 =	simm.s32 $0x1BF5;
	[smem:$0x3FB9] =	sst s0  }
0x18: {  	s0 =	sld [smem:$0x3F9C];
	_ =	swait.ge [sflag:s4], $0x0  }
0x19: {  	s7 =	sld [smem:$0x3F9D]  }
0x1a: {  	s8 =	sadd.s32 $0xFFFFE003, lr  }
0x1b: {  	s9 =	sadd.s32 $0xFFFFFEF7, lr;
	s5 =	simm.s32 $0xFFFFFFFF;
	p2 =	slt.u32 s8, $0xFFFFF086  }
0x1c: {  	p1 =	slt.u32 s9, $0xF7A;
	s5 =	simm.s32 @!p2 $0x0  }
0x1d: {  	s5 =	simm.s32 @p1 $0x1;
	p0 =	seq.s32 s7, s2  }
0x1e: {  	s7 =	smul.u32 @!p0 $0xF7A, s2;
	p2 =	seq.s32 @!p0 s5, $0x0  }
0x1f: {  	s9 =	smul.u32 $0xF7A, s1;
	s8 =	simm.s32 @!p0 $0x1BF5;
	p2 =	por !p2, p0  }
0x20: {  	[sflag:s8] =	ssyncset.s32 @!p0 $0xFFFFF086;
	s6 =	sadd.s32 @!p0 s3, s7;
	s7 =	simm.s32 @!p0 $0x108  }
0x21: {  	s3 =	sadd.s32 s3, s9;
	s6 =	sadd.s32 @!p0 $0x88, s6;
	s7 =	simm.s32 @p2 $0x1082  }
0x22: {  	[simem:s7], [sflag:s8] =	dma.local @!p0 [hbm:s6], $0xF7A  }
0x23: {  	s9 =	sor.u32 $0xD0000000, s2;
	s6 =	simm.s32 $0x108;
	_ =	swait.ge @!p0 [sflag:s8], $0x0  }
0x24: {  	s3 =	sadd.s32 $0x88, s3;
	s6 =	simm.s32 @!p1 $0x1082;
	[sflag:s4] =	ssyncset.s32 $0xFFFFF086  }
0x25: {  	[simem:s6], [sflag:s4] =	dma.local [hbm:s3], $0xF7A  }
0x26: {  	[smem:$0x3F9D] =	sst s1;
	(tag) =	ssettag s2;
	_ =	strace s9  }
0x27: {  	s1 =	sld [smem:$0x3FAD]  }
0x28: {  	s2 =	sld [smem:$0x3FAE]  }
0x29: {  	s4 =	sld [smem:$0x3FB0]  }
0x2a: {  	p0 =	seq.s32 s5, $0x0;
	s5 =	sld [smem:$0x3FB1]  }
0x2b: {  	s6 =	sld [smem:$0x3FB2]  }
0x2c: {  	s7 =	sld [smem:$0x3FB3]  }
0x2d: {  	s3 =	simm.s32 $0x108;
	s8 =	sld [smem:$0x3FB4]  }
0x2e: {  	s3 =	simm.s32 @!p0 $0x1082;
	s9 =	sld [smem:$0x3FB5]  }
0x2f: {  	lr =	sadd.s32 s0, s3;
	s0 =	sld [smem:$0x3FAC]  }
0x30: {  	s3 =	sld [smem:$0x3FAF]  }
0x31: {  	[smem:$0x3FB8] =	sst s10  }
0x32: {  	s10 =	sld [smem:$0x3FB6];
	_ =	sdelay $0x3  }
0x33: {  	p0 =	seq.s32 s10, $0x1;
	s10 =	sld [smem:$0x3FB8];
	_ =	sdelay $0x3  }
0x34: {  	[smem:$0x3FB8] =	sst s10  }
0x35: {  	s10 =	sld [smem:$0x3FB7];
	_ =	sdelay $0x3  }
0x36: {  	p1 =	seq.s32 s10, $0x1;
	s10 =	sld [smem:$0x3FB8];
	_ =	sdelay $0x3  }
0x37: {  	[smem:$0x3FB8] =	sst s10  }
0x38: {  	s10 =	sld [smem:$0x3FB9]  }
0x39: {  	_ = 	snop;
	(pc) =	sbr.ind lr, $3  }
0x3a: {  	_ = 	snop  }
0x3b: {  	_ = 	snop  }
0x3c: {  	p2 =	seq.s32 s10, $0x1;
	s10 =	sld [smem:$0x3FB8]  }
0x3d: {  	_ =	shalt  }
0x3e: {  	_ =	shalt  }
0x3f: {  	_ =	shalt  }
0x40: {  	_ =	shalt  }
0x41: {  	_ =	shalt  }
0x42: {  	_ =	shalt  }
0x43: {  	_ =	shalt  }
0x44: {  	_ =	shalt  }
0x45: {  	_ =	shalt  }
0x46: {  	_ =	shalt  }
0x47: {  	_ =	shalt  }
0x48: {  	_ =	shalt  }
0x49: {  	_ =	shalt  }
0x4a: {  	_ =	shalt  }
0x4b: {  	_ =	shalt  }
0x4c: {  	_ =	shalt  }
0x4d: {  	_ =	shalt  }
0x4e: {  	_ =	shalt  }
0x4f: {  	_ =	shalt  }
0x50: {  	_ =	shalt  }
0x51: {  	_ =	shalt  }
0x52: {  	_ =	shalt  }
0x53: {  	_ =	shalt  }
0x54: {  	_ =	shalt  }
0x55: {  	_ =	shalt  }
0x56: {  	_ =	shalt  }
0x57: {  	_ =	shalt  }
0x58: {  	_ =	shalt  }
0x59: {  	_ =	shalt  }
0x5a: {  	_ =	shalt  }
0x5b: {  	_ =	shalt  }
0x5c: {  	_ =	shalt  }
0x5d: {  	_ =	shalt  }
0x5e: {  	_ =	shalt  }
0x5f: {  	_ =	shalt  }
0x60: {  	_ =	shalt  }
0x61: {  	_ =	shalt  }
0x62: {  	_ =	shalt  }
0x63: {  	_ =	shalt  }
0x64: {  	_ =	shalt  }
0x65: {  	_ =	shalt  }
0x66: {  	_ =	shalt  }
0x67: {  	_ =	shalt  }
0x68: {  	_ =	shalt  }
0x69: {  	_ =	shalt  }
0x6a: {  	_ =	shalt  }
0x6b: {  	_ =	shalt  }
0x6c: {  	_ =	shalt  }
0x6d: {  	_ =	shalt  }
0x6e: {  	_ =	shalt  }
0x6f: {  	_ =	shalt  }
0x70: {  	_ =	shalt  }
0x71: {  	_ =	shalt  }
0x72: {  	_ =	shalt  }
0x73: {  	_ =	shalt  }
0x74: {  	_ =	shalt  }
0x75: {  	_ =	shalt  }
0x76: {  	_ =	shalt  }
0x77: {  	_ =	shalt  }
0x78: {  	_ =	shalt  }
0x79: {  	_ =	shalt  }
0x7a: {  	_ =	shalt  }
0x7b: {  	_ =	shalt  }
0x7c: {  	_ =	shalt  }
0x7d: {  	_ =	shalt  }
0x7e: {  	_ =	shalt  }
0x7f: {  	_ =	shalt  }
0x80: {  	_ =	shalt  }
0x81: {  	_ =	shalt  }
0x82: {  	_ =	shalt  }
0x83: {  	_ =	shalt  }
0x84: {  	_ =	shalt  }
0x85: {  	_ =	shalt  }
0x86: {  	_ =	shalt  }
0x87: {  	_ =	shalt  }
.Lfunc_end0:
.L_simem_size_0:
called_computation_lowered:
.L_overlay_start_0:
0x88: {  	s2 =	sld [smem:$0x3FD9]  }
0x89: {  	s3 =	sld [smem:$0x3FFE];
	_ =	sdelay $0x1  }
0x8a: {  	s1 =	srdreg.scid  }
0x8b: {  	s0 =	sand.u32 $0x1, s1  }
0x8c: {  	s14 =	sshll.u32 s0, $0xA;
	s2 =	sadd.s32 s3, s2  }
0x8d: {  	s2 =	sadd.s32 s2, s14  }
0x8e: {  	[smem:$0x3FC4] =	sst s2  }
0x8f: {  	_ = 	snop  }
0x90: {  	s2 =	sld [smem:$0x3FD0];
	_ =	sdelay $0x1  }
0x91: {  	s15 =	sld [smem:$0x3FC7]  }
0x92: {  	s5 =	simm.s32 $0xA;
	s6 =	simm.s32 $0x10;
	s4 =	sld [smem:$0x3FC6]  }
0x93: {  	[smem:s6], [sflag:s5] =	dma.local [hbm:s2], $0x1  }
0x94: {  	_ =	swait.eq [sflag:s5], $0x1  }
0x95: {  	s16 =	sld [smem:$0x10];
	[sflag:s5] =	ssyncset.done $0x0  }
0x96: {  	s17 =	sld [smem:$0x11];
	[sflag:s5] =	ssyncadd.s32 $0xFFFFFFFF  }
0x97: {  	s18 =	sld [smem:$0x13];
	(tm) =	ssettm $0x1  }
0x98: {  	s7 =	sld [smem:$0x3FFB];
	_ =	sdelay $0x3  }
0x99: {  	_ =	strace s7  }
0x9a: {  	s7 =	sld [smem:$0x3FFC];
	_ =	sdelay $0x3  }
0x9b: {  	_ =	strace s7  }
0x9c: {  	s7 =	sld [smem:$0x3FFD];
	_ =	sdelay $0x3  }
0x9d: {  	_ =	strace s7  }
0x9e: {  	_ =	strace $0x8FFFFFFF  }
0x9f: {  	s19 =	sld [smem:$0x3FDB];
	_ =	sdelay $0x1  }
0xa0: {  	s8 =	simm.s32 $_scs_section_size  }
0xa1: {  	s9 =	simm.s32 $_size__tile_overlayer_lowered;
	s10 =	simm.s32 $_tile_overlayer_lowered  }
0xa2: {  	s22 =	simm.s32 $0x1BFF;
	s21 =	sshll.u32 s10, $0x1;
	s7 =	sadd.s32 s8, s19  }
0xa3: {  	s11 =	simm.s32 $0x0;
	s20 =	sshll.u32 s9, $0x1;
	s9 =	sadd.s32 s21, s7  }
0xa4: {  	[timem:s11], [sflag:s22] =	dma.local [hbm:s9], s20  }
0xa5: {  	_ =	swait.ge [sflag:s22], s20  }
0xa6: {  	s8 =	ssub.s32 $0x0, s20;
	[sflag:s22] =	ssyncset.done $0x0  }
0xa7: {  	[sflag:s22] =	ssyncadd.s32 s8;
	_ =	sdelay $0x1  }
0xa8: {  	s23 =	simm.s32 $0x1B8B  }
0xa9: {  	_ =	swait.ge [sflag:s23], $0x1  }
0xaa: {  	[sflag:s23] =	ssyncset.done $0x0  }
0xab: {  	s25 =	simm.s32 $0x1B8E;
	s24 =	sld [smem:$0x3FFE];
	[sflag:s23] =	ssyncadd.s32 $0xFFFFFFFF  }
0xac: {  	s26 =	simm.s32 $execute0_lowered;
	[smem:$0x3FD2] =	sst s25  }
0xad: {  	s9 =	sshll.u32 s26, $0x1;
	_ =	strace $0x80000046;
	[dreg:$0x1] =	wrdreg $0xFFFFFFFF  }
0xae: {  	s28 =	simm.s32 $_size_execute0_lowered;
	s7 =	sadd.s32 s7, s9;
	[dreg:$0x0] =	wrdreg $0x0  }
0xaf: {  	s9 =	sshll.u32 s28, $0x1;
	[dreg:$0x2] =	wrdreg s7  }
0xb0: {  	[dreg:$0x3] =	wrdreg s9  }
0xb1: {  	[dreg:$0x4] =	wrdreg $0xC0  }
0xb2: {  	_ =	task [dreg:s11], $0x5FFFF  }
0xb3: {  	[dreg:$0x1] =	wrdreg $0xFFFFFFFF  }
0xb4: {  	[dreg:$0x0] =	wrdreg $0x60  }
0xb5: {  	[dreg:$0x2] =	wrdreg s18  }
0xb6: {  	[dreg:$0x3] =	wrdreg s24  }
0xb7: {  	[dreg:$0x4] =	wrdreg s15  }
0xb8: {  	[dreg:$0x5] =	wrdreg s4  }
0xb9: {  	[dreg:$0x6] =	wrdreg s16  }
0xba: {  	[dreg:$0x7] =	wrdreg s17  }
0xbb: {  	[dreg:$0x8] =	wrdreg $0x9  }
0xbc: {  	_ =	task.clear_ibuf [dreg:s11], $0x9FFFF;
	_ =	strace $0x90000046  }
0xbd: {  	s29 =	simm.s32 $0x9;
	_ =	strace $0x80000048  }
0xbe: {  	_ =	swait.ge [sflag:s29], $0x1  }
0xbf: {  	[sflag:s29] =	ssyncadd.s32 $0xFFFFFFFF  }
0xc0: {  	_ =	strace $0x90000048  }
0xc1: {  	_ =	sfence  }
0xc2: {  	s30 =	sld [smem:$0x0];
	_ =	sdelay $0x2  }
0xc3: {  	s31 =	sshll.u32 s1, $0xD;
	s1 =	sshrl.u32 s1, $0x2  }
0xc4: {  	s3 =	sand.u32 $0x4000, s31;
	s1 =	sadd.s32 s1, s30  }
0xc5: {  	s0 =	sor.u32 s3, s0;
	s1 =	sshll.u32 s1, $0x11  }
0xc6: {  	s0 =	sor.u32 s1, s0  }
0xc7: {  	s0 =	sadd.s32 $0x8F2B, s0  }
0xc8: {  	[sflag:s0] =	ssyncadd.remote.s32 $0x1  }
0xc9: {  	_ =	sfence.sel $0xFFFF  }
0xca: {  	[dreg:$0x0] =	wrdreg $0xFFFFFFFF;
	(pc) =	sbr.abs _section_cstart, $3  }
0xcb: {  	[dreg:$0x1] =	wrdreg $0xFFFFFFFF  }
0xcc: {  	_ =	task.clear_ibuf [dreg:s11], $0x2FFFF;
	_ =	strace $0x9FFFFFFF  }
0xcd: {  	(tm) =	ssettm $0x7FFFFFFF  }
tec
execute0_lowered:
.L_overlay_start_1:
0x0: {  	(tag) =	ssettag $0x1  }
0x1: {  	s0 =	srdreg.scid  }
0x2: {  	s2 =	stileid.u32;
	s1 =	rddreg [dreg:$0x1];
	s0 =	sand.u32 $0x1, s0  }
0x3: {  	s18 =	rddreg [dreg:$0x3];
	s7 =	simm.s32 $0x1;
	s3 =	sor.u32 s0, s2  }
0x4: {  	s6 =	simm.s32 $0x0;
	p1 =	seq.s32 s0, $0x1;
	p0 =	seq.s32 s3, $0x0  }
0x5: {  	s28 =	simm.s32 $0x3B80;
	s29 =	simm.s32 $0x3E00;
	p0 =	por !p0, !p1  }
0x6: {  	s30 =	simm.s32 $0x4080;
	s31 =	simm.s32 $0x14080;
	p0 =	por !p0, !p0  }
0x7: {  	[smem:$0x7FF] =	sst s6;
	s10 =	ssub.s32 $0x2, s0;
	s7 =	simm.s32 @!p0 $0x0  }
0x8: {  	_ =	strace $0x80000047;
	s20 =	sshrl.u32 s10, $0x1;
	s11 =	ssub.s32 s2, s7  }
0x9: {  	s3 =	simm.s32 $0x2;
	s12 =	sshrl.u32 s11, $0x3;
	s7 =	sshll.u32 s11, $0x7  }
0xa: {  	s13 =	sand.u32 $0x380, s7;
	s19 =	sshll.u32 s12, $0xB;
	s8 =	sshll.u32 s12, $0xA  }
0xb: {  	s7 =	simm.s32 $0x1;
	s24 =	sshll.u32 s12, $0x11;
	s9 =	sor.u32 s13, s19  }
0xc: {  	s26 =	sshll.u32 s12, $0x13;
	s8 =	sor.u32 s13, s8;
	s9 =	sshrl.u32 s9, $0x3  }
0xd: {  	s14 =	sshrl.u32 s8, $0x3;
	s8 =	sadd.s32 $0x21000, s1;
	s15 =	sadd.s32 s9, s1  }
0xe: {  	s16 =	sadd.s32 s14, s1;
	s9 =	sadd.s32 $0x1000, s1;
	s1 =	ssub.s32 s10, s20  }
0xf: {  	s10 =	sshll.u32 s0, $0xD;
	s21 =	sadd.s32 s18, s14;
	s0 =	sor.u32 s13, s24  }
0x10: {  	[dreg:$0x7] =	wrdreg s21;
	s22 =	sadd.s32 $0xA00, s16;
	s23 =	sadd.s32 $0xE00, s15  }
.Ltmp0:
0x11: {  	s25 =	sadd.s32 $0xC00, s15;
	[dreg:$0x8] =	wrdreg s22;
	(pc) =	sbr.rel .LBB2_1-.Ltmp0, $4  }
0x12: {  	s15 =	sor.u32 s13, s26;
	s16 =	sshll.u32 s11, $0x15;
	[dreg:$0x9] =	wrdreg s23  }
0x13: {  	s1 =	smax.u32 s1, $0x1;
	s18 =	sshrl.u32 s0, $0x3;
	[dreg:$0xa] =	wrdreg s25  }
0x14: {  	v0 =	vimm.s32 $0x0;
	vm0 =	vcmask $0x300;
	v1 =	vimm.f32 $0.0e+00;
	s21 =	simm.s32 $0x80;
	s26 =	simm.s32 $0x3300;
	[dreg:$0xb] =	wrdreg s1  }
0x15: {  	v3 =	vlaneseq.u32;
	v2 =	vsel vm0, $0x3F800000, v1;
	vm0 =	vmmov $0x3;
	s22 =	simm.s32 $0x400;
	s25 =	simm.s32 $0x3100;
	s1 =	simm.s32 $0x0  }
.LBB2_21:
0x16: {  	s1 =	rddreg [dreg:$0xc]  }
0x17: {  	s0 =	rddreg [dreg:$0xb];
	s1 =	sadd.s32 $0x1, s1  }
0x18: {  	p0 =	sne.s32 s1, s0  }
.Ltmp1:
0x19: {  	_ = 	snop;
	(pc) =	sbr.rel @!p0 .LBB2_22-.Ltmp1, $1  }
0x1a: {  	_ =	sdelay $0x3  }
.LBB2_1:
0x1b: {  	[dreg:$0xc] =	wrdreg s1  }
0x1c: {  	s0 =	rddreg [dreg:$0x7];
	s14 =	simm.s32 $0x3  }
0x1d: {  	[tilespmem:s6], [sflag:$0x3] =	stream.linear.gather [hbm4b:s0+s6], $0x80, $0x38;
	[tilespmem:$0x14900] =	vst v63  }
0x1e: {  	_ =	swait.ge [sflag:s14], $0x80  }
0x1f: {  	[sflag:s14] =	ssyncset.done $0x0  }
0x20: {  	s2 =	simm.s32 $0x100;
	s17 =	rddreg [dreg:$0x8];
	[sflag:s14] =	ssyncadd.s32 $0xFFFFFF80  }
0x21: {  	[tilespmem:s2], [sflag:$0x3] =	stream.linear.gather [hbm4b:s17+s6], $0x80, $0x38;
	[tilespmem:$0x14900] =	vst v63  }
0x22: {  	_ =	swait.ge [sflag:s14], $0x80  }
0x23: {  	[sflag:s14] =	ssyncset.done $0x0  }
0x24: {  	s20 =	simm.s32 $0x380;
	s19 =	rddreg [dreg:$0x9];
	[sflag:s14] =	ssyncadd.s32 $0xFFFFFF80  }
0x25: {  	[tilespmem:s20], [sflag:$0x3] =	stream.strided.gather [hbm4b:s19+s21], $0x100, s22, s21, $0x38;
	[tilespmem:$0x14900] =	vst v63  }
0x26: {  	_ =	swait.ge [sflag:s14], $0x100  }
0x27: {  	[sflag:s14] =	ssyncset.done $0x0  }
0x28: {  	s24 =	simm.s32 $0x480;
	s23 =	rddreg [dreg:$0xa];
	[sflag:s14] =	ssyncadd.s32 $0xFFFFFF00  }
0x29: {  	[tilespmem:s24], [sflag:$0x3] =	stream.strided.gather [hbm4b:s23+s21], $0x100, s22, s21, $0x38;
	[tilespmem:$0x14900] =	vst v63  }
0x2a: {  	_ =	swait.ge [sflag:s14], $0x100  }
0x2b: {  	[sflag:s14] =	ssyncset.done $0x0  }
0x2c: {  	s12 =	simm.s32 $0x0;
	[sflag:s14] =	ssyncadd.s32 $0xFFFFFF00  }
0x2d: {  	v4 =	vld [tilespmem:s12+$0x480]  }
0x2e: {  	v5 =	vld [tilespmem:s12+$0x380];
	_ =	sdelay $0x4  }
0x2f: {  	s11 =	simm.s32 $0x10;
	v11 =	vsub.f32 v4, v5  }
0x30: {  	v6 =	vld [tilespmem:s11+$0x380]  }
0x31: {  	v4 =	vld [tilespmem:s11+$0x480];
	v5 =	vand.u32 $0x7FFFFF, v11  }
0x32: {  	v5 =	vor.u32 $0x3F800000, v5  }
0x33: {  	v7 =	vadd.f32 $1.000000000e+00, v5;
	_ =	sdelay $0x1  }
0x34: {  	(erf) = vrcp.f32 v7  }
0x35: {  	s13 =	simm.s32 $0x20;
	v6 =	vsub.f32 v4, v6  }
0x36: {  	v8 =	vld [tilespmem:s13+$0x380]  }
0x37: {  	v4 =	vld [tilespmem:s13+$0x480];
	v7 =	vand.u32 $0x7FFFFF, v6  }
0x38: {  	v7 =	vor.u32 $0x3F800000, v7  }
0x39: {  	v9 =	vadd.f32 $1.000000000e+00, v7;
	_ =	sdelay $0x1  }
0x3a: {  	(erf) = vrcp.f32 v9  }
0x3b: {  	v5 =	vadd.f32 $-1.000000000e+00, v5;
	v4 =	vsub.f32 v4, v8  }
0x3c: {  	v9 =	vpop (erf)  }
0x3d: {  	v10 =	vmul.f32 v9, v5;
	v5 =	vand.u32 $0x7FFFFF, v4  }
0x3e: {  	s14 =	simm.s32 $0x30;
	v15 =	vor.u32 $0x3F800000, v5  }
0x3f: {  	v8 =	vld [tilespmem:s14+$0x480];
	v9 =	vadd.f32 $1.000000000e+00, v15  }
0x40: {  	v5 =	vld [tilespmem:s14+$0x380];
	v14 =	vmul.f32 v10, v10;
	_ =	sdelay $0x1  }
0x41: {  	v7 =	vadd.f32 $-1.000000000e+00, v7;
	v12 =	vmul.f32 $2.222222240e-01, v14  }
0x42: {  	(erf) = vrcp.f32 v9;
	v9 =	vpop (erf)  }
0x43: {  	v12 =	vadd.f32 $2.857142980e-01, v12;
	v9 =	vmul.f32 v9, v7  }
0x44: {  	v5 =	vsub.f32 v8, v5  }
0x45: {  	s17 =	simm.s32 $0x40;
	v7 =	vmul.f32 v12, v14;
	v12 =	vmul.f32 v9, v9  }
0x46: {  	v16 =	vld [tilespmem:s17+$0x380];
	v13 =	vand.u32 $0x7FFFFF, v5  }
0x47: {  	v8 =	vld [tilespmem:s17+$0x480];
	v13 =	vor.u32 $0x3F800000, v13;
	v7 =	vadd.f32 $4.000000060e-01, v7;
	v18 =	vmul.f32 $2.222222240e-01, v12  }
0x48: {  	v17 =	vadd.f32 $1.000000000e+00, v13  }
0x49: {  	v7 =	vmul.f32 v7, v14  }
0x4a: {  	v15 =	vadd.f32 $-1.000000000e+00, v15;
	(erf) = vrcp.f32 v17  }
0x4b: {  	v17 =	vadd.f32 $2.857142980e-01, v18;
	v19 =	vadd.f32 $6.666666860e-01, v7;
	v18 =	vpop (erf)  }
0x4c: {  	v11 =	vshra.s32 v11, $0x17;
	v7 =	vsub.f32 v8, v16;
	v8 =	vmul.f32 v18, v15  }
0x4d: {  	s20 =	simm.s32 $0x50;
	v18 =	vmul.f32 v17, v12;
	v15 =	vadd.s32 $0xFFFFFF81, v11;
	v20 =	vmul.f32 v19, v14  }
0x4e: {  	v14 =	vld [tilespmem:s20+$0x480];
	v19 =	vand.u32 $0x7FFFFF, v7;
	v16 =	vcvt.s32.f32 v15;
	v11 =	vmul.f32 v8, v8  }
0x4f: {  	s0 =	simm.s32 $0x180;
	v17 =	vld [tilespmem:s20+$0x380];
	v15 =	vor.u32 $0x3F800000, v19;
	v19 =	vadd.f32 $4.000000060e-01, v18;
	v18 =	vadd.f32 $2.000000000e+00, v20  }
.LBB2_2:
0x50: {  	p0 =	sne.s32 s0, $0x3C0;
	v20 =	vadd.f32 $1.000000000e+00, v15;
	v21 =	vmul.f32 $2.222222240e-01, v11;
	v16 =	vmul.f32 $6.931471820e-01, v16  }
0x51: {  	v19 =	vmul.f32 v19, v12;
	v18 =	vmul.f32 v18, v10;
	v10 =	vmovc v9;
	v9 =	vmov v8  }
0x52: {  	v8 =	vadd.f32 $-1.000000000e+00, v13;
	v13 =	vmovc v15;
	(erf) = vrcp.f32 v20;
	v20 =	vadd.f32 $2.857142980e-01, v21  }
.Ltmp2:
0x53: {  	v15 =	vpop (erf);
	v19 =	vadd.f32 $6.666666860e-01, v19;
	v16 =	vadd.f32 v18, v16;
	(pc) =	sbr.rel @p0 .LBB2_2-.Ltmp2, $4  }
0x54: {  	v17 =	vsub.f32 v14, v17;
	v8 =	vmul.f32 v15, v8;
	v14 =	vshra.s32 v6, $0x17;
	v6 =	vmovc v4;
	v4 =	vmovc v5  }
0x55: {  	s1 =	sshra.s32 s0, $0x2;
	v18 =	vmul.f32 v20, v11;
	v5 =	vmovc v7;
	v15 =	vadd.s32 $0xFFFFFF81, v14;
	v20 =	vmul.f32 v19, v12;
	[tilespmem:s12+$0x200] =	vst v16;
	s12 =	smov.u32 s11;
	s11 =	smov.u32 s13  }
0x56: {  	v12 =	vmovc v11;
	s13 =	smov.u32 s14;
	s14 =	smov.u32 s17;
	s17 =	smov.u32 s20;
	v14 =	vld [tilespmem:s1+$0x480];
	v19 =	vand.u32 $0x7FFFFF, v17;
	v16 =	vcvt.s32.f32 v15;
	v7 =	vmovc v17;
	v11 =	vmul.f32 v8, v8  }
0x57: {  	s0 =	sadd.s32 $0x40, s0;
	s20 =	smov.u32 s1;
	v17 =	vld [tilespmem:s1+$0x380];
	v15 =	vor.u32 $0x3F800000, v19;
	v19 =	vadd.f32 $4.000000060e-01, v18;
	v18 =	vadd.f32 $2.000000000e+00, v20  }
0x58: {  	_ =	sdelay $0x3  }
0x59: {  	v14 =	vsub.f32 v14, v17;
	_ =	sdelay $0x1  }
0x5a: {  	v17 =	vand.u32 $0x7FFFFF, v14  }
0x5b: {  	v20 =	vadd.f32 $1.000000000e+00, v15;
	v17 =	vor.u32 $0x3F800000, v17  }
0x5c: {  	v21 =	vadd.f32 $1.000000000e+00, v17  }
0x5d: {  	(erf) = vrcp.f32 v20  }
0x5e: {  	(erf) = vrcp.f32 v21;
	_ =	sdelay $0x4  }
0x5f: {  	v40 =	vmul.f32 $2.222222240e-01, v11  }
0x60: {  	v13 =	vadd.f32 $-1.000000000e+00, v13;
	v16 =	vmul.f32 $6.931471820e-01, v16;
	v43 =	vadd.f32 $-1.000000000e+00, v15  }
0x61: {  	v6 =	vshra.s32 v6, $0x17;
	v4 =	vshra.s32 v4, $0x17;
	v19 =	vmul.f32 v19, v12;
	v41 =	vpop (erf)  }
0x62: {  	v5 =	vshra.s32 v5, $0x17;
	v13 =	vmul.f32 v41, v13;
	v17 =	vadd.f32 $-1.000000000e+00, v17;
	v46 =	vpop (erf)  }
0x63: {  	v10 =	vmul.f32 v18, v10;
	v42 =	vadd.f32 $6.666666860e-01, v19;
	v15 =	vmul.f32 v46, v43;
	v48 =	vpop (erf)  }
0x64: {  	v7 =	vshra.s32 v7, $0x17;
	v45 =	vmul.f32 v13, v13;
	v17 =	vmul.f32 v48, v17  }
0x65: {  	v20 =	vadd.f32 $2.857142980e-01, v40;
	v47 =	vmul.f32 v42, v12;
	v50 =	vmul.f32 v15, v15  }
0x66: {  	v6 =	vadd.s32 $0xFFFFFF81, v6;
	v49 =	vmul.f32 $2.222222240e-01, v45;
	v22 =	vmul.f32 v17, v17  }
0x67: {  	v44 =	vmul.f32 v20, v11;
	v12 =	vadd.f32 $2.000000000e+00, v47;
	v51 =	vmul.f32 $2.222222240e-01, v50  }
0x68: {  	v4 =	vadd.s32 $0xFFFFFF81, v4;
	v21 =	vadd.f32 $2.857142980e-01, v49;
	v53 =	vmul.f32 $2.222222240e-01, v22  }
0x69: {  	v19 =	vadd.f32 $4.000000060e-01, v44;
	v9 =	vmul.f32 v12, v9;
	v12 =	vadd.f32 $2.857142980e-01, v51  }
0x6a: {  	v6 =	vcvt.s32.f32 v6;
	v52 =	vmul.f32 v21, v45;
	v21 =	vadd.f32 $2.857142980e-01, v53  }
0x6b: {  	v5 =	vadd.s32 $0xFFFFFF81, v5;
	v19 =	vmul.f32 v19, v11;
	v12 =	vmul.f32 v12, v50  }
0x6c: {  	v10 =	vadd.f32 v10, v16;
	v16 =	vadd.f32 $4.000000060e-01, v52;
	v55 =	vmul.f32 v21, v22  }
0x6d: {  	v6 =	vmul.f32 $6.931471820e-01, v6;
	v54 =	vadd.f32 $6.666666860e-01, v19;
	v56 =	vadd.f32 $4.000000060e-01, v12  }
0x6e: {  	v7 =	vadd.s32 $0xFFFFFF81, v7;
	v16 =	vmul.f32 v16, v45;
	v58 =	vadd.f32 $4.000000060e-01, v55  }
0x6f: {  	v6 =	vadd.f32 v9, v6;
	v9 =	vmul.f32 v54, v11;
	v11 =	vmul.f32 v56, v50  }
0x70: {  	v4 =	vcvt.s32.f32 v4;
	v57 =	vadd.f32 $6.666666860e-01, v16;
	v16 =	vmul.f32 v58, v22  }
0x71: {  	v5 =	vcvt.s32.f32 v5;
	v7 =	vcvt.s32.f32 v7;
	v11 =	vadd.f32 $6.666666860e-01, v11  }
0x72: {  	v4 =	vmul.f32 $6.931471820e-01, v4;
	v12 =	vmul.f32 v57, v45;
	v60 =	vadd.f32 $6.666666860e-01, v16  }
0x73: {  	v5 =	vmul.f32 $6.931471820e-01, v5;
	v9 =	vadd.f32 $2.000000000e+00, v9;
	v11 =	vmul.f32 v11, v50  }
0x74: {  	v14 =	vshra.s32 v14, $0x17;
	v59 =	vadd.f32 $2.000000000e+00, v12;
	v12 =	vmul.f32 v60, v22  }
0x75: {  	v14 =	vadd.s32 $0xFFFFFF81, v14;
	v8 =	vmul.f32 v9, v8;
	v11 =	vadd.f32 $2.000000000e+00, v11  }
0x76: {  	v61 =	vcvt.s32.f32 v14;
	v9 =	vmul.f32 v59, v13;
	v12 =	vadd.f32 $2.000000000e+00, v12  }
0x77: {  	v7 =	vmul.f32 $6.931471820e-01, v7;
	[tilespmem:s12+$0x200] =	vst v10;
	v4 =	vadd.f32 v8, v4;
	v62 =	vmul.f32 v11, v15  }
0x78: {  	[tilespmem:s11+$0x200] =	vst v6;
	v6 =	vmul.f32 $6.931471820e-01, v61;
	v5 =	vadd.f32 v9, v5;
	v63 =	vmul.f32 v12, v17  }
0x79: {  	[tilespmem:s13+$0x200] =	vst v4;
	v4 =	vadd.f32 v62, v7  }
0x7a: {  	[tilespmem:s14+$0x200] =	vst v5;
	v5 =	vadd.f32 v63, v6  }
0x7b: {  	[tilespmem:s17+$0x200] =	vst v4  }
0x7c: {  	[tilespmem:s20+$0x200] =	vst v5  }
0x7d: {  	[tilespmem:$0x1000] =	vst v0  }
0x7e: {  	s11 =	simm.s32 $0x0;
	[tilespmem:$0x1010] =	vst v0  }
0x7f: {  	v4 =	vld [tilespmem:s11+$0x0];
	_ =	sdelay $0x4  }
0x80: {  	(v2sf) =	vpush v4, $0x0;
	_ =	sdelay $0xe  }
0x81: {  	s0 =	spop (v2sf)  }
0x82: {  	s1 =	ssub.s32 s0, s10  }
0x83: {  	p1 =	sgt.u32 s1, $0x1FFF  }
0x84: {  	s1 =	sshrl.u32 @!p1 s1, $0x9  }
0x85: {  	v4 =	vld @!p1 [tilespmem:s1+$0x1000];
	_ =	sdelay $0x4  }
0x86: {  	(v2sf) =	vpush @!p1 v4, $0x0;
	_ =	sdelay $0xc  }
0x87: {  	s12 =	smul.u32 @!p1 $0x280, s1;
	_ =	sdelay $0x1  }
0x88: {  	s12 =	sshra.s32 @!p1 s12, $0x2;
	s13 =	spop @!p1 (v2sf)  }
0x89: {  	s12 =	sadd.s32 @!p1 s13, s12  }
0x8a: {  	v4 =	vld @!p1 [tilespmem:s12+$0x580];
	_ =	sdelay $0x2  }
0x8b: {  	v5 =	vlaneseq.u32 @!p1  }
0x8c: {  	vm1 =	veq.s32 @!p1 v5, $0x0  }
0x8d: {  	v4 =	vsel @!p1 vm1, s11, v4  }
0x8e: {  	[tilespmem:s12+$0x580] =	vst @!p1 v4  }
0x8f: {  	v4 =	vld @!p1 [tilespmem:s1+$0x1000];
	_ =	sdelay $0x3  }
0x90: {  	s12 =	sadd.s32 @!p1 $0x1, s13  }
0x91: {  	v4 =	vsel @!p1 vm1, s12, v4  }
0x92: {  	s0 =	sand.u32 @!p1 $0x1FFF, s0;
	[tilespmem:s1+$0x1000] =	vst @!p1 v4  }
0x93: {  	v4 =	vld @!p1 [tilespmem:s0+$0x1080];
	_ =	sdelay $0x4  }
0x94: {  	s12 =	simm.s32 $0x1;
	v4 =	vsel @!p1 vm1, s11, v4  }
.LBB2_4:
0x95: {  	[tilespmem:s0+$0x1080] =	vst @!p1 v4;
	s11 =	sadd.s32 $0x1, s11;
	s13 =	smov.u32 s12;
	s12 =	sadd.s32 $0x1, s12  }
0x96: {  	v4 =	vld [tilespmem:s11+$0x0];
	p0 =	sne.s32 s12, $0x80;
	_ =	sdelay $0x4  }
0x97: {  	(v2sf) =	vpush v4, $0x0;
	_ =	sdelay $0xe  }
0x98: {  	s0 =	spop (v2sf)  }
0x99: {  	s1 =	ssub.s32 s0, s10  }
0x9a: {  	p1 =	sgt.u32 s1, $0x1FFF  }
0x9b: {  	s1 =	sshrl.u32 @!p1 s1, $0x9;
	v4 =	vlaneseq.u32 @!p1  }
0x9c: {  	v5 =	vld @!p1 [tilespmem:s1+$0x1000];
	s14 =	smul.u32 @!p1 $0x280, s1;
	_ =	sdelay $0x1  }
0x9d: {  	s14 =	sshra.s32 @!p1 s14, $0x2;
	_ =	sdelay $0x2  }
0x9e: {  	(v2sf) =	vpush @!p1 v5, $0x0;
	_ =	sdelay $0xe  }
0x9f: {  	s17 =	spop @!p1 (v2sf)  }
0xa0: {  	s14 =	sadd.s32 @!p1 s17, s14;
	s17 =	sadd.s32 @!p1 $0x1, s17  }
0xa1: {  	v5 =	vld @!p1 [tilespmem:s14+$0x580];
	_ =	sdelay $0x3  }
0xa2: {  	vm1 =	veq.s32 @!p1 v4, $0x0  }
0xa3: {  	v4 =	vsel @!p1 vm1, s13, v5  }
0xa4: {  	[tilespmem:s14+$0x580] =	vst @!p1 v4  }
0xa5: {  	v4 =	vld @!p1 [tilespmem:s1+$0x1000];
	_ =	sdelay $0x4  }
0xa6: {  	v4 =	vsel @!p1 vm1, s17, v4  }
0xa7: {  	s0 =	sand.u32 @!p1 $0x1FFF, s0;
	[tilespmem:s1+$0x1000] =	vst @!p1 v4  }
0xa8: {  	v4 =	vld @!p1 [tilespmem:s0+$0x1080]  }
.Ltmp3:
0xa9: {  	(pc) =	sbr.rel @p0 .LBB2_4-.Ltmp3, $2  }
0xaa: {  	_ =	sdelay $0x2  }
0xab: {  	v4 =	vsel @!p1 vm1, s13, v4  }
0xac: {  	[tilespmem:s0+$0x1080] =	vst @!p1 v4;
	s1 =	simm.s32 $0x200;
	s0 =	simm.s32 $0x0  }
.LBB2_6:
0xad: {  	p0 =	sne.s32 s1, $0x3FE00;
	[tilespmem:s0+$0x40C0] =	vst v1;
	s11 =	smov.u32 s1;
	s1 =	sadd.s32 $0x200, s1  }
.Ltmp4:
0xae: {  	[tilespmem:s0+$0x40B0] =	vst v1;
	(pc) =	sbr.rel @p0 .LBB2_6-.Ltmp4, $4  }
0xaf: {  	[tilespmem:s0+$0x40A0] =	vst v1  }
0xb0: {  	[tilespmem:s0+$0x4080] =	vst v2  }
0xb1: {  	[tilespmem:s0+$0x4090] =	vst v1  }
0xb2: {  	s0 =	sshra.s32 s11, $0x2  }
0xb3: {  	[tilespmem:s0+$0x40C0] =	vst v1  }
0xb4: {  	[tilespmem:s0+$0x40B0] =	vst v1  }
0xb5: {  	[tilespmem:s0+$0x40A0] =	vst v1  }
0xb6: {  	[tilespmem:s0+$0x4080] =	vst v2  }
0xb7: {  	[tilespmem:s0+$0x4090] =	vst v1  }
0xb8: {  	[tilespmem:$0x3E00] =	vst v1  }
0xb9: {  	[tilespmem:$0x3E10] =	vst v1  }
0xba: {  	[tilespmem:$0x3E20] =	vst v1  }
0xbb: {  	[tilespmem:$0x3E30] =	vst v1  }
0xbc: {  	[tilespmem:$0x3E40] =	vst v1  }
0xbd: {  	[tilespmem:$0x3E50] =	vst v1  }
0xbe: {  	[tilespmem:$0x3E60] =	vst v1  }
0xbf: {  	[tilespmem:$0x3E70] =	vst v1  }
0xc0: {  	[tilespmem:$0x3E80] =	vst v1  }
0xc1: {  	[tilespmem:$0x3E90] =	vst v1  }
0xc2: {  	[tilespmem:$0x3EA0] =	vst v1  }
0xc3: {  	[tilespmem:$0x3EB0] =	vst v1  }
0xc4: {  	[tilespmem:$0x3EC0] =	vst v1  }
0xc5: {  	[tilespmem:$0x3ED0] =	vst v1  }
0xc6: {  	[tilespmem:$0x3EE0] =	vst v1  }
0xc7: {  	[tilespmem:$0x3EF0] =	vst v1  }
0xc8: {  	[tilespmem:$0x3F00] =	vst v1  }
0xc9: {  	[tilespmem:$0x3F10] =	vst v1  }
0xca: {  	[tilespmem:$0x3F20] =	vst v1  }
0xcb: {  	[tilespmem:$0x3F30] =	vst v1  }
0xcc: {  	[tilespmem:$0x3F40] =	vst v1  }
0xcd: {  	[tilespmem:$0x3F50] =	vst v1  }
0xce: {  	[tilespmem:$0x3F60] =	vst v1  }
0xcf: {  	[tilespmem:$0x3F70] =	vst v1  }
0xd0: {  	[tilespmem:$0x3F80] =	vst v1  }
0xd1: {  	[tilespmem:$0x3F90] =	vst v1  }
0xd2: {  	[tilespmem:$0x3FA0] =	vst v1  }
0xd3: {  	[tilespmem:$0x3FB0] =	vst v1  }
0xd4: {  	[tilespmem:$0x3FC0] =	vst v1  }
0xd5: {  	[tilespmem:$0x3FD0] =	vst v1  }
0xd6: {  	[tilespmem:$0x3FE0] =	vst v1  }
0xd7: {  	s20 =	simm.s32 $0x0;
	s0 =	simm.s32 $0x0;
	[tilespmem:$0x3FF0] =	vst v1  }
.LBB2_8:
0xd8: {  	p0 =	sne.s32 s0, $0x1FC0  }
.Ltmp5:
0xd9: {  	_ = 	snop;
	(pc) =	sbr.rel @p0 .LBB2_8-.Ltmp5, $3  }
0xda: {  	_ =	sdelay $0x1  }
0xdb: {  	s1 =	sshra.s32 s0, $0x2  }
0xdc: {  	s0 =	sadd.s32 $0x40, s0;
	[tilespmem:s1+$0x14080] =	vst v1  }
.Ltmp6:
0xdd: {  	(pc) =	sbr.rel .LBB2_10-.Ltmp6, $2  }
0xde: {  	_ =	sdelay $0x2  }
0xdf: {  	s17 =	simm.s32 $0x580  }
.LBB2_19:
0xe0: {  	(v2sf) =	vpush v4, $0x0;
	_ =	sdelay $0xe  }
0xe1: {  	s0 =	spop (v2sf)  }
0xe2: {  	v4 =	vld [tilespmem:s0+$0x0];
	_ =	sdelay $0x2  }
0xe3: {  	v5 =	vld [tilespmem:s0+$0x100];
	_ =	sdelay $0x1  }
0xe4: {  	(v2sf) =	vpush v4, $0x0;
	_ =	sdelay $0x2  }
0xe5: {  	(v2sf) =	vpush v5, $0x0;
	_ =	sdelay $0xb  }
0xe6: {  	s19 =	spop (v2sf)  }
0xe7: {  	s1 =	ssub.s32 s19, s24  }
0xe8: {  	s2 =	sshll.u32 s1, $0x9  }
0xe9: {  	s4 =	spop (v2sf);
	s2 =	sshra.s32 s2, $0x2  }
0xea: {  	s5 =	sand.u32 $0xFFFFFF80, s4;
	s11 =	sadd.s32 $0x4080, s2  }
0xeb: {  	s4 =	sand.u32 $0x7F, s4;
	s5 =	sadd.s32 s5, s11  }
0xec: {  	s4 =	sor.u32 s4, s5  }
0xed: {  	v4 =	vld [tilespmem:s4+$0x0];
	_ =	sdelay $0x3  }
0xee: {  	vm1 =	veq.s32 v3, $0x0  }
0xef: {  	v4 =	vsel vm1, $0x0, v4  }
0xf0: {  	[tilespmem:s4+$0x0] =	vst v4  }
0xf1: {  	v4 =	vld [tilespmem:s2+$0x4080];
	_ =	sdelay $0x4  }
0xf2: {  	s23 =	sshll.u32 s1, $0x4;
	v4 =	vsel vm1, $0x3F800000, v4  }
0xf3: {  	s24 =	sshra.s32 s23, $0x2;
	[tilespmem:s2+$0x4080] =	vst v4  }
0xf4: {  	v4 =	vld [tilespmem:s24+$0x14082];
	_ =	sdelay $0x4  }
0xf5: {  	s0 =	sand.u32 $0x7F, s19;
	s1 =	sand.u32 $0xFFFFFF80, s1;
	v4 =	vsel vm0, $0x0, v4  }
0xf6: {  	s0 =	sor.u32 s0, s1;
	[tilespmem:s24+$0x14082] =	vst v4  }
0xf7: {  	v4 =	vld [tilespmem:s0+$0x3E00];
	_ =	sdelay $0x4  }
0xf8: {  	v4 =	vsel vm1, $0x0, v4  }
0xf9: {  	[tilespmem:s0+$0x3E00] =	vst v4  }
.LBB2_20:
0xfa: {  	s20 =	sadd.s32 $0x1, s20  }
0xfb: {  	p0 =	sne.s32 s20, $0x10  }
.Ltmp7:
0xfc: {  	_ = 	snop;
	(pc) =	sbr.rel @!p0 .LBB2_21-.Ltmp7, $2  }
0xfd: {  	_ =	sdelay $0x2  }
0xfe: {  	s17 =	sadd.s32 $0xA0, s17  }
.LBB2_10:
0xff: {  	s0 =	sshll.u32 s20, $0x9  }
0x100: {  	s24 =	sadd.s32 s10, s0  }
0x101: {  	s14 =	rddreg [dreg:$0x2];
	s12 =	sadd.s32 s24, s18  }
0x102: {  	s19 =	sshll.u32 s24, $0x5;
	s0 =	sadd.s32 s14, s12  }
0x103: {  	[tilespmem:s25], [sflag:$0x1] =	stream.strided.gather [hbm4b:s0+s21], $0x200, s22, s21, $0x38;
	[tilespmem:$0x14900] =	vst v63  }
0x104: {  	s0 =	sadd.s32 s15, s19  }
0x105: {  	s23 =	rddreg [dreg:$0x0];
	s11 =	sshrl.u32 s0, $0x3  }
0x106: {  	s0 =	sadd.s32 s23, s11  }
0x107: {  	[tilespmem:s26], [sflag:$0x1] =	stream.strided.gather [hbm4b:s0+s21], $0x800, s22, s21, $0x38;
	[tilespmem:$0x14900] =	vst v63  }
0x108: {  	v4 =	vld [tilespmem:s20+$0x1000];
	_ =	swait.ge [sflag:s7], $0x200  }
0x109: {  	[sflag:s7] =	ssyncset.done $0x0  }
0x10a: {  	[sflag:s7] =	ssyncadd.s32 $0xFFFFFE00  }
0x10b: {  	_ =	swait.ge [sflag:s7], $0x800  }
0x10c: {  	[sflag:s7] =	ssyncset.done $0x0  }
0x10d: {  	s0 =	simm.s32 $0x0;
	[sflag:s7] =	ssyncadd.s32 $0xFFFFF800  }
0x10e: {  	v5 =	vld [tilespmem:s0+$0x3100]  }
0x10f: {  	s1 =	simm.s32 $0x40  }
.LBB2_11:
0x110: {  	p0 =	seq.s32 s1, $0x7C0  }
.Ltmp8:
0x111: {  	_ = 	snop;
	(pc) =	sbr.rel @!p0 .LBB2_11-.Ltmp8, $4  }
0x112: {  	_ = 	snop  }
0x113: {  	s13 =	sshra.s32 s1, $0x2;
	s1 =	sadd.s32 $0x40, s1;
	vm1 =	vgt.s32 v5, $0x0  }
0x114: {  	v5 =	vld [tilespmem:s13+$0x3100];
	v6 =	vsel vm1, $0xBF800000, v1  }
0x115: {  	[tilespmem:s0+$0x3B80] =	vst v6;
	s0 =	smov.u32 s13  }
0x116: {  	(v2sf) =	vpush v4, $0x0;
	_ =	sdelay $0xe  }
0x117: {  	s13 =	spop (v2sf)  }
0x118: {  	p0 =	sgt.s32 s13, $0x0  }
.Ltmp9:
0x119: {  	_ = 	snop;
	(pc) =	sbr.rel @!p0 .LBB2_16-.Ltmp9, $4  }
0x11a: {  	_ = 	snop  }
0x11b: {  	vm1 =	vgt.s32 v5, $0x0  }
0x11c: {  	v5 =	vsel vm1, $0xBF800000, v1  }
0x11d: {  	[tilespmem:s0+$0x3B80] =	vst v5  }
0x11e: {  	v4 =	vld [tilespmem:s17+$0x0];
	_ =	sdelay $0x4  }
0x11f: {  	(v2sf) =	vpush v4, $0x0;
	_ =	sdelay $0xe  }
0x120: {  	s0 =	spop (v2sf)  }
0x121: {  	v4 =	vld [tilespmem:s0+$0x0];
	_ =	sdelay $0x4  }
0x122: {  	(v2sf) =	vpush v4, $0x0;
	_ =	sdelay $0xe  }
0x123: {  	s1 =	spop (v2sf)  }
0x124: {  	s14 =	ssub.s32 s1, s10  }
0x125: {  	s19 =	sand.u32 $0x7F, s1;
	s14 =	sand.u32 $0xFFFFFF80, s14  }
0x126: {  	s14 =	sor.u32 s19, s14  }
0x127: {  	v4 =	vld [tilespmem:s14+$0x1080];
	_ =	sdelay $0x4  }
0x128: {  	(v2sf) =	vpush v4, $0x0;
	_ =	sdelay $0xe  }
0x129: {  	s23 =	spop (v2sf)  }
0x12a: {  	p1 =	sne.s32 s23, s0  }
0x12b: {  	s1 =	ssub.s32 @!p1 s1, s24  }
0x12c: {  	s14 =	sand.u32 @!p1 $0xFFFFFF80, s1  }
0x12d: {  	s14 =	sor.u32 @!p1 s19, s14  }
0x12e: {  	v4 =	vld @!p1 [tilespmem:s14+$0x3B80]  }
0x12f: {  	v5 =	vld @!p1 [tilespmem:s14+$0x3E00];
	_ =	sdelay $0x1  }
0x130: {  	v6 =	vlaneseq.u32 @!p1  }
0x131: {  	vm1 =	veq.s32 @!p1 v6, $0x0  }
0x132: {  	v4 =	vsel @!p1 vm1, $0x3F800000, v4  }
0x133: {  	[tilespmem:s14+$0x3B80] =	vst @!p1 v4;
	v4 =	vsel @!p1 vm1, $0x3F800000, v5  }
0x134: {  	[tilespmem:s14+$0x3E00] =	vst @!p1 v4  }
0x135: {  	v4 =	vld @!p1 [tilespmem:s0+$0x100];
	_ =	sdelay $0x4  }
0x136: {  	(v2sf) =	vpush @!p1 v4, $0x0;
	_ =	sdelay $0x9  }
0x137: {  	s14 =	sshll.u32 @!p1 s1, $0x9  }
0x138: {  	s14 =	sshra.s32 @!p1 s14, $0x2  }
0x139: {  	v4 =	vld @!p1 [tilespmem:s14+$0x4080];
	_ =	sdelay $0x2  }
0x13a: {  	s19 =	spop @!p1 (v2sf)  }
0x13b: {  	s23 =	sadd.s32 @!p1 $0x4080, s14;
	s2 =	sand.u32 @!p1 $0xFFFFFF80, s19  }
0x13c: {  	v4 =	vsel @!p1 vm1, $0x0, v4;
	s19 =	sand.u32 @!p1 $0x7F, s19;
	s2 =	sadd.s32 @!p1 s2, s23  }
0x13d: {  	[tilespmem:s14+$0x4080] =	vst @!p1 v4;
	s2 =	sor.u32 @!p1 s19, s2  }
0x13e: {  	v4 =	vld @!p1 [tilespmem:s2+$0x0];
	_ =	sdelay $0x4  }
0x13f: {  	v4 =	vsel @!p1 vm1, $0x3F800000, v4  }
0x140: {  	s19 =	sshll.u32 @!p1 s1, $0x2;
	[tilespmem:s2+$0x0] =	vst @!p1 v4  }
0x141: {  	v4 =	vld @!p1 [tilespmem:s19+$0x3300];
	_ =	sdelay $0x4  }
0x142: {  	v5 =	vand.u32 @!p1 $0x7FFFFF, v4  }
0x143: {  	v5 =	vor.u32 @!p1 $0x3F800000, v5  }
0x144: {  	v6 =	vadd.f32 @!p1 $1.000000000e+00, v5;
	_ =	sdelay $0x1  }
0x145: {  	(erf) = vrcp.f32 @!p1 v6;
	_ =	sdelay $0x7  }
0x146: {  	v5 =	vadd.f32 @!p1 $-1.000000000e+00, v5  }
0x147: {  	v6 =	vpop @!p1 (erf)  }
0x148: {  	v5 =	vmul.f32 @!p1 v6, v5;
	_ =	sdelay $0x1  }
0x149: {  	v6 =	vmul.f32 @!p1 v5, v5;
	_ =	sdelay $0x1  }
0x14a: {  	v7 =	vmul.f32 @!p1 $2.222222240e-01, v6;
	_ =	sdelay $0x1  }
0x14b: {  	v7 =	vadd.f32 @!p1 $2.857142980e-01, v7;
	_ =	sdelay $0x1  }
0x14c: {  	v7 =	vmul.f32 @!p1 v7, v6;
	_ =	sdelay $0x1  }
0x14d: {  	v7 =	vadd.f32 @!p1 $4.000000060e-01, v7;
	_ =	sdelay $0x1  }
0x14e: {  	v7 =	vmul.f32 @!p1 v7, v6;
	_ =	sdelay $0x1  }
0x14f: {  	v7 =	vadd.f32 @!p1 $6.666666860e-01, v7;
	_ =	sdelay $0x1  }
0x150: {  	v4 =	vshra.s32 @!p1 v4, $0x17;
	v6 =	vmul.f32 @!p1 v7, v6  }
0x151: {  	v4 =	vadd.s32 @!p1 $0xFFFFFF81, v4  }
0x152: {  	s0 =	sshll.u32 @!p1 s0, $0x3;
	v4 =	vcvt.s32.f32 @!p1 v4;
	v6 =	vadd.f32 @!p1 $2.000000000e+00, v6  }
0x153: {  	s0 =	sshra.s32 @!p1 s0, $0x2;
	s14 =	sadd.s32 $0xFFFFFFFF, s13  }
0x154: {  	p0 =	sne.s32 s14, $0x0;
	v4 =	vmul.f32 @!p1 $6.931471820e-01, v4;
	v7 =	vld @!p1 [tilespmem:s0+$0x200];
	v5 =	vmul.f32 @!p1 v6, v5  }
.Ltmp10:
0x155: {  	_ = 	snop;
	(pc) =	sbr.rel @!p0 .LBB2_15-.Ltmp10, $2  }
0x156: {  	v5 =	vadd.f32 @!p1 v5, v4;
	v4 =	vld @!p1 [tilespmem:s19+$0x14082];
	_ =	sdelay $0x2  }
0x157: {  	s23 =	smov.u32 s17;
	vm1 =	vmmov @!p1 $0x3;
	v5 =	vsub.f32 @!p1 v7, v5  }
.LBB2_14:
0x158: {  	_ = 	snop  }
0x159: {  	s14 =	sadd.s32 $0xFFFFFFFF, s14;
	s23 =	sadd.s32 $0x1, s23;
	v4 =	vsel @!p1 vm1, v5, v4  }
0x15a: {  	p0 =	sne.s32 s14, $0x0;
	[tilespmem:s19+$0x14082] =	vst @!p1 v4  }
0x15b: {  	v4 =	vld [tilespmem:s23+$0x0];
	_ =	sdelay $0x4  }
0x15c: {  	(v2sf) =	vpush v4, $0x0;
	_ =	sdelay $0xe  }
0x15d: {  	s19 =	spop (v2sf)  }
0x15e: {  	v4 =	vld [tilespmem:s19+$0x0];
	_ =	sdelay $0x4  }
0x15f: {  	(v2sf) =	vpush v4, $0x0;
	_ =	sdelay $0xe  }
0x160: {  	s0 =	spop (v2sf)  }
0x161: {  	s1 =	ssub.s32 s0, s10  }
0x162: {  	s2 =	sand.u32 $0x7F, s0;
	s1 =	sand.u32 $0xFFFFFF80, s1  }
0x163: {  	s1 =	sor.u32 s2, s1  }
0x164: {  	v4 =	vld [tilespmem:s1+$0x1080];
	_ =	sdelay $0x4  }
0x165: {  	(v2sf) =	vpush v4, $0x0;
	_ =	sdelay $0xe  }
0x166: {  	s1 =	spop (v2sf)  }
0x167: {  	p1 =	sne.s32 s1, s19  }
0x168: {  	s0 =	ssub.s32 @!p1 s0, s24;
	v4 =	vlaneseq.u32 @!p1;
	s1 =	sshll.u32 @!p1 s19, $0x3  }
0x169: {  	s4 =	sand.u32 @!p1 $0xFFFFFF80, s0;
	s5 =	sshll.u32 @!p1 s0, $0x9;
	s1 =	sshra.s32 @!p1 s1, $0x2  }
0x16a: {  	s2 =	sor.u32 @!p1 s2, s4;
	s4 =	sshra.s32 @!p1 s5, $0x2  }
0x16b: {  	v5 =	vld @!p1 [tilespmem:s2+$0x3B80];
	s5 =	sadd.s32 @!p1 $0x4080, s4  }
0x16c: {  	v6 =	vld @!p1 [tilespmem:s2+$0x3E00];
	_ =	sdelay $0x2  }
0x16d: {  	vm1 =	veq.s32 @!p1 v4, $0x0  }
0x16e: {  	v4 =	vsel @!p1 vm1, $0x3F800000, v5  }
0x16f: {  	[tilespmem:s2+$0x3B80] =	vst @!p1 v4;
	v4 =	vsel @!p1 vm1, $0x3F800000, v6  }
0x170: {  	[tilespmem:s2+$0x3E00] =	vst @!p1 v4  }
0x171: {  	v4 =	vld @!p1 [tilespmem:s19+$0x100]  }
0x172: {  	v5 =	vld @!p1 [tilespmem:s4+$0x4080];
	_ =	sdelay $0x3  }
0x173: {  	(v2sf) =	vpush @!p1 v4, $0x0  }
0x174: {  	v4 =	vsel @!p1 vm1, $0x0, v5  }
0x175: {  	[tilespmem:s4+$0x4080] =	vst @!p1 v4;
	_ =	sdelay $0xc  }
0x176: {  	s2 =	spop @!p1 (v2sf)  }
0x177: {  	s4 =	sand.u32 @!p1 $0xFFFFFF80, s2;
	s2 =	sand.u32 @!p1 $0x7F, s2  }
0x178: {  	s4 =	sadd.s32 @!p1 s4, s5  }
0x179: {  	s2 =	sor.u32 @!p1 s2, s4  }
0x17a: {  	v4 =	vld @!p1 [tilespmem:s2+$0x0];
	_ =	sdelay $0x4  }
0x17b: {  	s19 =	sshll.u32 @!p1 s0, $0x2;
	v4 =	vsel @!p1 vm1, $0x3F800000, v4  }
0x17c: {  	[tilespmem:s2+$0x0] =	vst @!p1 v4  }
0x17d: {  	v5 =	vld @!p1 [tilespmem:s19+$0x3300]  }
0x17e: {  	v6 =	vld @!p1 [tilespmem:s1+$0x200]  }
0x17f: {  	v4 =	vld @!p1 [tilespmem:s19+$0x14082];
	_ =	sdelay $0x2  }
0x180: {  	v7 =	vshra.s32 @!p1 v5, $0x17;
	v5 =	vand.u32 @!p1 $0x7FFFFF, v5  }
0x181: {  	v7 =	vadd.s32 @!p1 $0xFFFFFF81, v7;
	v5 =	vor.u32 @!p1 $0x3F800000, v5  }
0x182: {  	v8 =	vadd.f32 @!p1 $-1.000000000e+00, v5;
	v5 =	vadd.f32 @!p1 $1.000000000e+00, v5;
	v7 =	vcvt.s32.f32 @!p1 v7;
	_ =	sdelay $0x1  }
0x183: {  	v7 =	vmul.f32 @!p1 $6.931471820e-01, v7;
	(erf) = vrcp.f32 @!p1 v5;
	_ =	sdelay $0x8  }
0x184: {  	v5 =	vpop @!p1 (erf)  }
0x185: {  	v5 =	vmul.f32 @!p1 v5, v8;
	_ =	sdelay $0x1  }
0x186: {  	v8 =	vmul.f32 @!p1 v5, v5;
	_ =	sdelay $0x1  }
0x187: {  	v9 =	vmul.f32 @!p1 $2.222222240e-01, v8;
	_ =	sdelay $0x1  }
0x188: {  	v9 =	vadd.f32 @!p1 $2.857142980e-01, v9;
	_ =	sdelay $0x1  }
0x189: {  	v9 =	vmul.f32 @!p1 v9, v8;
	_ =	sdelay $0x1  }
0x18a: {  	v9 =	vadd.f32 @!p1 $4.000000060e-01, v9;
	_ =	sdelay $0x1  }
0x18b: {  	v9 =	vmul.f32 @!p1 v9, v8;
	_ =	sdelay $0x1  }
0x18c: {  	v9 =	vadd.f32 @!p1 $6.666666860e-01, v9;
	_ =	sdelay $0x1  }
0x18d: {  	v8 =	vmul.f32 @!p1 v9, v8;
	_ =	sdelay $0x1  }
0x18e: {  	v8 =	vadd.f32 @!p1 $2.000000000e+00, v8;
	_ =	sdelay $0x1  }
.Ltmp11:
0x18f: {  	v5 =	vmul.f32 @!p1 v8, v5;
	(pc) =	sbr.rel @p0 .LBB2_14-.Ltmp11, $3  }
0x190: {  	_ = 	snop  }
0x191: {  	v5 =	vadd.f32 @!p1 v5, v7;
	_ =	sdelay $0x1  }
0x192: {  	vm1 =	vmmov @!p1 $0x3;
	v5 =	vsub.f32 @!p1 v6, v5  }
.LBB2_15:
0x193: {  	_ = 	snop  }
0x194: {  	v4 =	vsel @!p1 vm1, v5, v4  }
0x195: {  	[tilespmem:s19+$0x14082] =	vst @!p1 v4  }
.LBB2_16:
0x196: {  	s0 =	rddreg [dreg:$0x4]  }
0x197: {  	s14 =	rddreg [dreg:$0x5];
	s0 =	sadd.s32 s0, s12  }
0x198: {  	[hbm4b:s0+s21] =	stream.strided.scatter [tilespmem:s28], [sflag:$0x2], $0x200, s22, s21, $0x38;
	[tilespmem:$0x14900] =	vst v63  }
0x199: {  	s19 =	sshll.u32 s24, $0x7;
	s0 =	sadd.s32 s14, s12  }
0x19a: {  	[hbm4b:s0+s21] =	stream.strided.scatter [tilespmem:s29], [sflag:$0x2], $0x200, s22, s21, $0x38;
	[tilespmem:$0x14900] =	vst v63  }
0x19b: {  	s0 =	sadd.s32 s16, s19  }
0x19c: {  	s0 =	sshrl.u32 s0, $0x3  }
0x19d: {  	s0 =	sadd.s32 s8, s0  }
0x19e: {  	[hbm4b:s0+s6] =	stream.linear.scatter [tilespmem:s30], [sflag:$0x2], $0x10000, $0x38;
	[tilespmem:$0x14900] =	vst v63  }
0x19f: {  	s23 =	sadd.s32 s9, s11  }
0x1a0: {  	[hbm4b:s23+s21] =	stream.strided.scatter [tilespmem:s31], [sflag:$0x2], $0x800, s22, s21, $0x38;
	[tilespmem:$0x14900] =	vst v63  }
0x1a1: {  	_ =	swait.ge [sflag:s3], $0x200  }
0x1a2: {  	[sflag:s3] =	ssyncset.done $0x0  }
0x1a3: {  	[sflag:s3] =	ssyncadd.s32 $0xFFFFFE00  }
0x1a4: {  	_ =	swait.ge [sflag:s3], $0x200  }
0x1a5: {  	[sflag:s3] =	ssyncset.done $0x0  }
0x1a6: {  	[sflag:s3] =	ssyncadd.s32 $0xFFFFFE00  }
0x1a7: {  	p0 =	slt.s32 s13, $0x1;
	_ =	swait.ge [sflag:s3], $0x10000  }
.Ltmp12:
0x1a8: {  	[sflag:s3] =	ssyncset.done $0x0;
	(pc) =	sbr.rel @p0 .LBB2_20-.Ltmp12, $4  }
0x1a9: {  	[sflag:s3] =	ssyncadd.s32 $0xFFFF0000  }
0x1aa: {  	_ =	swait.ge [sflag:s3], $0x800  }
0x1ab: {  	[sflag:s3] =	ssyncset.done $0x0  }
0x1ac: {  	[sflag:s3] =	ssyncadd.s32 $0xFFFFF800  }
0x1ad: {  	p0 =	sne.s32 s13, $0x1  }
.Ltmp13:
0x1ae: {  	v4 =	vld [tilespmem:s17+$0x0];
	(pc) =	sbr.rel @!p0 .LBB2_19-.Ltmp13, $2  }
0x1af: {  	_ =	sdelay $0x2  }
0x1b0: {  	s11 =	sadd.s32 $0xFFFFFFFF, s13;
	s12 =	smov.u32 s17  }
.LBB2_18:
0x1b1: {  	p0 =	sne.s32 s11, $0x1;
	_ =	sdelay $0x3  }
0x1b2: {  	(v2sf) =	vpush v4, $0x0;
	_ =	sdelay $0xe  }
0x1b3: {  	s0 =	spop (v2sf)  }
0x1b4: {  	v4 =	vld [tilespmem:s0+$0x0];
	_ =	sdelay $0x2  }
0x1b5: {  	v5 =	vld [tilespmem:s0+$0x100];
	_ =	sdelay $0x1  }
0x1b6: {  	(v2sf) =	vpush v4, $0x0;
	_ =	sdelay $0x2  }
0x1b7: {  	(v2sf) =	vpush v5, $0x0;
	_ =	sdelay $0xb  }
0x1b8: {  	s0 =	spop (v2sf)  }
0x1b9: {  	s1 =	ssub.s32 s0, s24  }
0x1ba: {  	s2 =	sshll.u32 s1, $0x9  }
0x1bb: {  	s2 =	sshra.s32 s2, $0x2;
	s4 =	spop (v2sf)  }
0x1bc: {  	s5 =	sand.u32 $0xFFFFFF80, s4;
	s13 =	sadd.s32 $0x4080, s2  }
0x1bd: {  	s4 =	sand.u32 $0x7F, s4;
	s5 =	sadd.s32 s5, s13  }
0x1be: {  	s4 =	sor.u32 s4, s5  }
0x1bf: {  	v4 =	vld [tilespmem:s4+$0x0];
	_ =	sdelay $0x3  }
0x1c0: {  	vm1 =	veq.s32 v3, $0x0  }
0x1c1: {  	v4 =	vsel vm1, $0x0, v4  }
0x1c2: {  	[tilespmem:s4+$0x0] =	vst v4  }
0x1c3: {  	v4 =	vld [tilespmem:s2+$0x4080];
	_ =	sdelay $0x4  }
0x1c4: {  	s4 =	sshll.u32 s1, $0x4;
	v4 =	vsel vm1, $0x3F800000, v4  }
0x1c5: {  	[tilespmem:s2+$0x4080] =	vst v4;
	s2 =	sshra.s32 s4, $0x2  }
0x1c6: {  	v4 =	vld [tilespmem:s2+$0x14082];
	_ =	sdelay $0x4  }
0x1c7: {  	s0 =	sand.u32 $0x7F, s0;
	s1 =	sand.u32 $0xFFFFFF80, s1;
	v4 =	vsel vm0, $0x0, v4  }
0x1c8: {  	s0 =	sor.u32 s0, s1;
	[tilespmem:s2+$0x14082] =	vst v4  }
0x1c9: {  	v4 =	vld [tilespmem:s0+$0x3E00];
	_ =	sdelay $0x2  }
.Ltmp14:
0x1ca: {  	(pc) =	sbr.rel @p0 .LBB2_18-.Ltmp14, $4  }
0x1cb: {  	_ = 	snop  }
0x1cc: {  	v4 =	vsel vm1, $0x0, v4  }
0x1cd: {  	s12 =	sadd.s32 $0x1, s12;
	[tilespmem:s0+$0x3E00] =	vst v4  }
0x1ce: {  	s11 =	sadd.s32 $0xFFFFFFFF, s11;
	v4 =	vld [tilespmem:s12+$0x0]  }
.Ltmp15:
0x1cf: {  	_ = 	snop;
	(pc) =	sbr.rel .LBB2_19-.Ltmp15, $1  }
0x1d0: {  	_ =	sdelay $0x3  }
.LBB2_22:
0x1d1: {  	_ =	sfence.sel $0x180000  }
0x1d2: {  	[bflag:$0x0] =	sbarrier.arrive $0xFFFF  }
0x1d3: {  	_ =	strace $0x90000047  }
0x1d4: {  	s0 =	stileid.u32;
	[bflag:$0x2] =	sbarrier.arrive $0xFFFF  }
0x1d5: {  	p0 =	sne.s32 s0, $0x0;
	s0 =	rddreg [dreg:$0x6]  }
0x1d6: {  	s0 =	sadd.s32 @!p0 $0x100000, s0  }
0x1d7: {  	[sflag:s0] =	ssyncadd.tile.s32 @!p0 $0x1;
	_ =	shalt  }
.Lfunc_end2:
_tile_overlayer_lowered:
.L_overlay_start_2:
0x1d8: {  	(tag) =	ssettag $0x2  }
0x1d9: {  	s0 =	rddreg [dreg:$0x0];
	s2 =	stileid.u32  }
0x1da: {  	s1 =	rddreg [dreg:$0x1];
	p0 =	sne.s32 s2, $0x0  }
0x1db: {  	s3 =	rddreg [dreg:$0x2];
	[bflag:$0x3] =	sbarrier.arrive $0xFFFF;
	s2 =	simm.s32 @!p0 $0x1C03  }
0x1dc: {  	[timem:s3], [sflag:s2] =	dma.local @!p0 [hbm:s0], s1  }
0x1dd: {  	s0 =	simm.s32 @!p0 $0x3  }
0x1de: {  	_ =	swait.ge @!p0 [sflag:s0], s1  }
0x1df: {  	s1 =	ssub.s32 @!p0 $0x0, s1;
	[sflag:s0] =	ssyncset.done @!p0 $0x0  }
0x1e0: {  	[sflag:s0] =	ssyncadd.s32 @!p0 s1  }
0x1e1: {  	[bflag:$0x3] =	sbarrier.arrive $0xFFFF  }
0x1e2: {  	_ =	shalt  }

</sc_bundles>
